<compile_context>
chip_gen: v7x
topology: tpu7x:2x2x1
jax: 0.10.2.dev20260603
libtpu: 0.0.44.dev20260713+nightly
codegen_flags: <defaults>
</compile_context>

<pallas_src>
import math

import numpy as np
import jax
import jax.numpy as jnp
from jax.experimental import pallas as pl
from jax.experimental.pallas import tpu as pltpu

_SMPL_J24_EDGES = [
    (0, 1), (1, 4), (4, 7), (7, 10), (0, 2), (2, 5), (5, 8), (8, 11),
    (0, 3), (3, 6), (6, 9), (9, 12), (12, 15), (9, 13), (13, 16), (16, 18),
    (18, 20), (20, 22), (9, 14), (14, 17), (17, 19), (19, 21), (21, 23),
]
_N = 24
_GPB = 4
_BB = 2


def _adjacency():
    e = np.asarray(_SMPL_J24_EDGES, dtype=np.int64).T
    src, dst = e[0], e[1]
    deg = np.ones(_N, np.float64)
    np.add.at(deg, dst, 1.0)
    dinv = 1.0 / np.sqrt(deg)
    A = np.zeros((_N, _N), np.float64)
    np.add.at(A, (dst, src), dinv[src] * dinv[dst])
    A += np.diag(dinv * dinv)
    Ablk = np.kron(np.eye(_GPB), A).astype(np.float32)
    return Ablk


_ABLK = _adjacency()
_ASTK = np.concatenate([_ABLK[0::2, :], _ABLK[1::2, :]], axis=0)


def _gelu_exact(x):
    return 0.5 * x * (1.0 + jax.lax.erf(x * (1.0 / math.sqrt(2.0))))


def _body(x_ref, a_ref, astk_ref, w1_ref, b1_ref, w2_ref, b2w_ref, o_ref):
    a = a_ref[...]
    astk = astk_ref[...]
    w1 = w1_ref[...]
    b1 = b1_ref[...]
    w2 = w2_ref[...]
    b2w = b2w_ref[...]
    rows = x_ref.shape[0]
    blk = a.shape[0]
    half = blk // 2
    f = w2.shape[1]
    xall = x_ref[...].astype(jnp.bfloat16)
    xwb = jnp.dot(xall, w1,
                  preferred_element_type=jnp.float32).astype(jnp.bfloat16)
    hs = []
    for j in range(rows // blk):
        t = jnp.dot(a, xwb[j * blk:(j + 1) * blk],
                    preferred_element_type=jnp.float32)
        hs.append(_gelu_exact(t + b1).astype(jnp.bfloat16))
    h = jnp.concatenate(hs, axis=0)
    zb = jnp.dot(h, w2,
                 preferred_element_type=jnp.float32).astype(jnp.bfloat16)
    outs = []
    for p in range(rows // (2 * blk)):
        r0 = 2 * p * blk
        zp = jnp.concatenate(
            [zb[r0:r0 + blk], zb[r0 + blk:r0 + 2 * blk]], axis=1)
        g = jnp.dot(astk, zp, preferred_element_type=jnp.float32)
        o0 = jnp.concatenate([g[:half, :f], g[half:, :f]], axis=1)
        o1 = jnp.concatenate([g[:half, f:], g[half:, f:]], axis=1)
        outs.append(o0 + b2w)
        outs.append(o1 + b2w)
    o_ref[...] = jnp.concatenate(outs, axis=0)


def kernel(joints_xyz, edge_index, W1, b1, W2, b2):
    del edge_index
    Bq, Tq, N, C = joints_xyz.shape
    H = W1.shape[1]
    F = W2.shape[1]
    rows = Bq * Tq * N
    step = _BB * Tq * N
    orows = rows * F // 128
    ostep = step * F // 128
    x = joints_xyz.reshape(rows, C)

    a16 = jnp.asarray(_ABLK, dtype=jnp.bfloat16)
    astk16 = jnp.asarray(_ASTK, dtype=jnp.bfloat16)
    b2w = jnp.concatenate([b2, b2], axis=0).reshape(1, 2 * F)

    out = pl.pallas_call(
        _body,
        grid=(Bq // _BB,),
        in_specs=[
            pl.BlockSpec((step, C), lambda i: (i, 0)),
            pl.BlockSpec(_ABLK.shape, lambda i: (0, 0)),
            pl.BlockSpec(_ASTK.shape, lambda i: (0, 0)),
            pl.BlockSpec((C, H), lambda i: (0, 0)),
            pl.BlockSpec((1, H), lambda i: (0, 0)),
            pl.BlockSpec((H, F), lambda i: (0, 0)),
            pl.BlockSpec((1, 2 * F), lambda i: (0, 0)),
        ],
        out_specs=pl.BlockSpec((ostep, 128), lambda i: (i, 0)),
        out_shape=jax.ShapeDtypeStruct((orows, 128), jnp.float32),
        compiler_params=pltpu.CompilerParams(
            dimension_semantics=("parallel",),
        ),
    )(x, a16, astk16, W1.astype(jnp.bfloat16), b1.reshape(1, H),
      W2.astype(jnp.bfloat16), b2w)
    return out.reshape(Bq, Tq, N, F)

# --- scband reference (transcript-rebuilt; emitter-appended) ---
"""Pipeline reference for scband-spatial-gnn-67912022885048 (READ-ONLY COPY).

The authoritative reference and input builder live on the scoring server;
editing this copy changes nothing except your own understanding.
"""

import jax, jax.numpy as jnp
import numpy as np

SMPL_J24_EDGES = [(0, 1), (1, 4), (4, 7), (7, 10), (0, 2), (2, 5), (5, 8), (8, 11), (0, 3), (3, 6), (6, 9), (9, 12), (12, 15), (9, 13), (13, 16), (16, 18), (18, 20), (20, 22), (9, 14), (14, 17), (17, 19), (19, 21), (21, 23)]
N_JOINTS = 24
B, T = 64, 128


def _batch_edges(G, N):
    base = np.asarray(SMPL_J24_EDGES, dtype=np.int64).T  # [2, E]
    E = base.shape[1]
    offs = (np.arange(G, dtype=np.int64) * N)[None, :, None]  # [1, G, 1]
    edges = base[:, None, :] + offs  # [2, G, E]
    return jnp.asarray(edges.reshape(2, G * E))


def setup_inputs(seed: int = 0) -> dict:
    key = jax.random.key(seed)
    k1, k2, k3 = jax.random.split(key, 3)
    joints_xyz = jax.random.normal(k1, (B, T, N_JOINTS, 3), dtype=jnp.float32)
    edge_index = _batch_edges(B * T, N_JOINTS)
    in_dim, hid, out_dim = 3, 128, 64
    W1 = jax.random.normal(k2, (in_dim, hid), dtype=jnp.float32) * (1.0 / np.sqrt(in_dim))
    b1 = jnp.zeros((hid,), dtype=jnp.float32)
    W2 = jax.random.normal(k3, (hid, out_dim), dtype=jnp.float32) * (1.0 / np.sqrt(hid))
    b2 = jnp.zeros((out_dim,), dtype=jnp.float32)
    return {"joints_xyz": joints_xyz, "edge_index": edge_index, "W1": W1, "b1": b1, "W2": W2, "b2": b2}


def _gcn_conv(x, edge_index, W, b):
    # Faithful to torch_geometric GCNConv defaults: add self-loops,
    # symmetric D^-1/2 (A+I) D^-1/2 normalization, linear then aggregate, then bias.
    num_nodes = x.shape[0]
    loops = jnp.arange(num_nodes, dtype=edge_index.dtype)
    src = jnp.concatenate([edge_index[0], loops])
    dst = jnp.concatenate([edge_index[1], loops])
    ones = jnp.ones(src.shape[0], dtype=x.dtype)
    deg = jnp.zeros((num_nodes,), dtype=x.dtype).at[dst].add(ones)
    deg_inv_sqrt = jnp.where(deg > 0, 1.0 / jnp.sqrt(deg), 0.0)
    norm = deg_inv_sqrt[src] * deg_inv_sqrt[dst]
    h = x @ W
    msg = h[src] * norm[:, None]
    out = jnp.zeros((num_nodes, h.shape[1]), dtype=x.dtype).at[dst].add(msg)
    return out + b


def reference(joints_xyz, edge_index, W1, b1, W2, b2):
    Bq, Tq, N, _ = joints_xyz.shape
    x = joints_xyz.reshape(Bq * Tq * N, -1)
    x = _gcn_conv(x, edge_index, W1, b1)
    x = jax.nn.gelu(x, approximate=False)
    x = _gcn_conv(x, edge_index, W2, b2)
    return x.reshape(Bq, Tq, N, -1)

if __name__ == "__main__":
    import jax
    _d = setup_inputs()
    print(jax.jit(kernel)(*tuple(_d.values())))

</pallas_src>

<mosaic_0001>
module attributes {stable_mosaic.version = 14 : i64} {
  func.func @_body(%arg0: i32, %arg1: memref<6144x3xf32, #tpu.memory_space<vmem>>, %arg2: memref<96x96xbf16, #tpu.memory_space<vmem>>, %arg3: memref<96x96xbf16, #tpu.memory_space<vmem>>, %arg4: memref<3x128xbf16, #tpu.memory_space<vmem>>, %arg5: memref<1x128xf32, #tpu.memory_space<vmem>>, %arg6: memref<128x64xbf16, #tpu.memory_space<vmem>>, %arg7: memref<1x128xf32, #tpu.memory_space<vmem>>, %arg8: memref<3072x128xf32, #tpu.memory_space<vmem>>) attributes {dimension_semantics = [#tpu.dimension_semantics<parallel>], iteration_bounds = array<i64: 32>, scalar_prefetch = 0 : i64, scratch_operands = 0 : i64, tpu.core_type = #tpu.core_type<tc>, window_params = [{transform_indices = @transform_0, window_bounds = array<i64: 6144, 3>}, {pipeline_mode = #tpu.pipeline_mode<synchronous>, transform_indices = @transform_1, window_bounds = array<i64: 96, 96>}, {pipeline_mode = #tpu.pipeline_mode<synchronous>, transform_indices = @transform_2, window_bounds = array<i64: 96, 96>}, {pipeline_mode = #tpu.pipeline_mode<synchronous>, transform_indices = @transform_3, window_bounds = array<i64: 3, 128>}, {pipeline_mode = #tpu.pipeline_mode<synchronous>, transform_indices = @transform_4, window_bounds = array<i64: 1, 128>}, {pipeline_mode = #tpu.pipeline_mode<synchronous>, transform_indices = @transform_5, window_bounds = array<i64: 128, 64>}, {pipeline_mode = #tpu.pipeline_mode<synchronous>, transform_indices = @transform_6, window_bounds = array<i64: 1, 128>}, {transform_indices = @transform_7, window_bounds = array<i64: 3072, 128>}]} {
    %get3A = arith.constant 0 : index
    %get3A_0 = arith.constant 0 : index
    %get3A_1 = vector.load %arg2[%get3A, %get3A_0] : memref<96x96xbf16, #tpu.memory_space<vmem>>, vector<96x96xbf16>
    %get3A_2 = arith.constant 0 : index
    %get3A_3 = arith.constant 0 : index
    %get3A_4 = vector.load %arg3[%get3A_2, %get3A_3] : memref<96x96xbf16, #tpu.memory_space<vmem>>, vector<96x96xbf16>
    %get3A_5 = arith.constant 0 : index
    %get3A_6 = arith.constant 0 : index
    %get3A_7 = vector.load %arg4[%get3A_5, %get3A_6] : memref<3x128xbf16, #tpu.memory_space<vmem>>, vector<3x128xbf16>
    %get3A_8 = arith.constant 0 : index
    %get3A_9 = arith.constant 0 : index
    %get3A_10 = vector.load %arg5[%get3A_8, %get3A_9] : memref<1x128xf32, #tpu.memory_space<vmem>>, vector<1x128xf32>
    %get3A_11 = arith.constant 0 : index
    %get3A_12 = arith.constant 0 : index
    %get3A_13 = vector.load %arg6[%get3A_11, %get3A_12] : memref<128x64xbf16, #tpu.memory_space<vmem>>, vector<128x64xbf16>
    %get3A_14 = arith.constant 0 : index
    %get3A_15 = arith.constant 0 : index
    %get3A_16 = vector.load %arg7[%get3A_14, %get3A_15] : memref<1x128xf32, #tpu.memory_space<vmem>>, vector<1x128xf32>
    %get3A_17 = arith.constant 0 : index
    %get3A_18 = arith.constant 0 : index
    %get3A_19 = vector.load %arg1[%get3A_17, %get3A_18] : memref<6144x3xf32, #tpu.memory_space<vmem>>, vector<6144x3xf32>
    %convert_element_type3A = arith.truncf %get3A_19 : vector<6144x3xf32> to vector<6144x3xbf16>
    %dot_general3A = arith.constant dense<0.000000e+00> : vector<6144x128xf32>
    %dot_general3A_20 = tpu.matmul %convert_element_type3A, %get3A_7, %dot_general3A {dimension_numbers = #tpu.dot_dimension_numbers<[1], [0], [0], [1], [0, 0, 1, 1], [], []>, transpose_lhs_hint = false} : vector<6144x3xbf16>, vector<3x128xbf16>, vector<6144x128xf32> -> vector<6144x128xf32>
    %convert_element_type3A_21 = arith.truncf %dot_general3A_20 : vector<6144x128xf32> to vector<6144x128xbf16>
    %slice3A = vector.extract_strided_slice %convert_element_type3A_21 {offsets = [0, 0], sizes = [96, 128], strides = [1, 1]} : vector<6144x128xbf16> to vector<96x128xbf16>
    %dot_general3A_22 = arith.constant dense<0.000000e+00> : vector<96x128xf32>
    %dot_general3A_23 = tpu.matmul %get3A_1, %slice3A, %dot_general3A_22 {dimension_numbers = #tpu.dot_dimension_numbers<[1], [0], [0], [1], [0, 0, 1, 1], [], []>, transpose_lhs_hint = false} : vector<96x96xbf16>, vector<96x128xbf16>, vector<96x128xf32> -> vector<96x128xf32>
    %add3A = vector.broadcast %get3A_10 : vector<1x128xf32> to vector<96x128xf32>
    %add3A_24 = arith.addf %dot_general3A_23, %add3A : vector<96x128xf32>
    %mul3A = arith.constant 5.000000e-01 : f32
    %mul3A_25 = vector.broadcast %mul3A : f32 to vector<96x128xf32>
    %mul3A_26 = arith.mulf %mul3A_25, %add3A_24 : vector<96x128xf32>
    %mul3A_27 = arith.constant 0.707106769 : f32
    %mul3A_28 = vector.broadcast %mul3A_27 : f32 to vector<96x128xf32>
    %mul3A_29 = arith.mulf %add3A_24, %mul3A_28 : vector<96x128xf32>
    %erf3A = math.erf %mul3A_29 : vector<96x128xf32>
    %add3A_30 = arith.constant 1.000000e+00 : f32
    %add3A_31 = vector.broadcast %add3A_30 : f32 to vector<96x128xf32>
    %add3A_32 = arith.addf %add3A_31, %erf3A : vector<96x128xf32>
    %mul3A_33 = arith.mulf %mul3A_26, %add3A_32 : vector<96x128xf32>
    %convert_element_type3A_34 = arith.truncf %mul3A_33 : vector<96x128xf32> to vector<96x128xbf16>
    %slice3A_35 = vector.extract_strided_slice %convert_element_type3A_21 {offsets = [96, 0], sizes = [96, 128], strides = [1, 1]} : vector<6144x128xbf16> to vector<96x128xbf16>
    %dot_general3A_36 = arith.constant dense<0.000000e+00> : vector<96x128xf32>
    %dot_general3A_37 = tpu.matmul %get3A_1, %slice3A_35, %dot_general3A_36 {dimension_numbers = #tpu.dot_dimension_numbers<[1], [0], [0], [1], [0, 0, 1, 1], [], []>, transpose_lhs_hint = false} : vector<96x96xbf16>, vector<96x128xbf16>, vector<96x128xf32> -> vector<96x128xf32>
    %add3A_38 = vector.broadcast %get3A_10 : vector<1x128xf32> to vector<96x128xf32>
    %add3A_39 = arith.addf %dot_general3A_37, %add3A_38 : vector<96x128xf32>
    %mul3A_40 = arith.constant 5.000000e-01 : f32
    %mul3A_41 = vector.broadcast %mul3A_40 : f32 to vector<96x128xf32>
    %mul3A_42 = arith.mulf %mul3A_41, %add3A_39 : vector<96x128xf32>
    %mul3A_43 = arith.constant 0.707106769 : f32
    %mul3A_44 = vector.broadcast %mul3A_43 : f32 to vector<96x128xf32>
    %mul3A_45 = arith.mulf %add3A_39, %mul3A_44 : vector<96x128xf32>
    %erf3A_46 = math.erf %mul3A_45 : vector<96x128xf32>
    %add3A_47 = arith.constant 1.000000e+00 : f32
    %add3A_48 = vector.broadcast %add3A_47 : f32 to vector<96x128xf32>
    %add3A_49 = arith.addf %add3A_48, %erf3A_46 : vector<96x128xf32>
    %mul3A_50 = arith.mulf %mul3A_42, %add3A_49 : vector<96x128xf32>
    %convert_element_type3A_51 = arith.truncf %mul3A_50 : vector<96x128xf32> to vector<96x128xbf16>
    %slice3A_52 = vector.extract_strided_slice %convert_element_type3A_21 {offsets = [192, 0], sizes = [96, 128], strides = [1, 1]} : vector<6144x128xbf16> to vector<96x128xbf16>
    %dot_general3A_53 = arith.constant dense<0.000000e+00> : vector<96x128xf32>
    %dot_general3A_54 = tpu.matmul %get3A_1, %slice3A_52, %dot_general3A_53 {dimension_numbers = #tpu.dot_dimension_numbers<[1], [0], [0], [1], [0, 0, 1, 1], [], []>, transpose_lhs_hint = false} : vector<96x96xbf16>, vector<96x128xbf16>, vector<96x128xf32> -> vector<96x128xf32>
    %add3A_55 = vector.broadcast %get3A_10 : vector<1x128xf32> to vector<96x128xf32>
    %add3A_56 = arith.addf %dot_general3A_54, %add3A_55 : vector<96x128xf32>
    %mul3A_57 = arith.constant 5.000000e-01 : f32
    %mul3A_58 = vector.broadcast %mul3A_57 : f32 to vector<96x128xf32>
    %mul3A_59 = arith.mulf %mul3A_58, %add3A_56 : vector<96x128xf32>
    %mul3A_60 = arith.constant 0.707106769 : f32
    %mul3A_61 = vector.broadcast %mul3A_60 : f32 to vector<96x128xf32>
    %mul3A_62 = arith.mulf %add3A_56, %mul3A_61 : vector<96x128xf32>
    %erf3A_63 = math.erf %mul3A_62 : vector<96x128xf32>
    %add3A_64 = arith.constant 1.000000e+00 : f32
    %add3A_65 = vector.broadcast %add3A_64 : f32 to vector<96x128xf32>
    %add3A_66 = arith.addf %add3A_65, %erf3A_63 : vector<96x128xf32>
    %mul3A_67 = arith.mulf %mul3A_59, %add3A_66 : vector<96x128xf32>
    %convert_element_type3A_68 = arith.truncf %mul3A_67 : vector<96x128xf32> to vector<96x128xbf16>
    %slice3A_69 = vector.extract_strided_slice %convert_element_type3A_21 {offsets = [288, 0], sizes = [96, 128], strides = [1, 1]} : vector<6144x128xbf16> to vector<96x128xbf16>
    %dot_general3A_70 = arith.constant dense<0.000000e+00> : vector<96x128xf32>
    %dot_general3A_71 = tpu.matmul %get3A_1, %slice3A_69, %dot_general3A_70 {dimension_numbers = #tpu.dot_dimension_numbers<[1], [0], [0], [1], [0, 0, 1, 1], [], []>, transpose_lhs_hint = false} : vector<96x96xbf16>, vector<96x128xbf16>, vector<96x128xf32> -> vector<96x128xf32>
    %add3A_72 = vector.broadcast %get3A_10 : vector<1x128xf32> to vector<96x128xf32>
    %add3A_73 = arith.addf %dot_general3A_71, %add3A_72 : vector<96x128xf32>
    %mul3A_74 = arith.constant 5.000000e-01 : f32
    %mul3A_75 = vector.broadcast %mul3A_74 : f32 to vector<96x128xf32>
    %mul3A_76 = arith.mulf %mul3A_75, %add3A_73 : vector<96x128xf32>
    %mul3A_77 = arith.constant 0.707106769 : f32
    %mul3A_78 = vector.broadcast %mul3A_77 : f32 to vector<96x128xf32>
    %mul3A_79 = arith.mulf %add3A_73, %mul3A_78 : vector<96x128xf32>
    %erf3A_80 = math.erf %mul3A_79 : vector<96x128xf32>
    %add3A_81 = arith.constant 1.000000e+00 : f32
    %add3A_82 = vector.broadcast %add3A_81 : f32 to vector<96x128xf32>
    %add3A_83 = arith.addf %add3A_82, %erf3A_80 : vector<96x128xf32>
    %mul3A_84 = arith.mulf %mul3A_76, %add3A_83 : vector<96x128xf32>
    %convert_element_type3A_85 = arith.truncf %mul3A_84 : vector<96x128xf32> to vector<96x128xbf16>
    %slice3A_86 = vector.extract_strided_slice %convert_element_type3A_21 {offsets = [384, 0], sizes = [96, 128], strides = [1, 1]} : vector<6144x128xbf16> to vector<96x128xbf16>
    %dot_general3A_87 = arith.constant dense<0.000000e+00> : vector<96x128xf32>
    %dot_general3A_88 = tpu.matmul %get3A_1, %slice3A_86, %dot_general3A_87 {dimension_numbers = #tpu.dot_dimension_numbers<[1], [0], [0], [1], [0, 0, 1, 1], [], []>, transpose_lhs_hint = false} : vector<96x96xbf16>, vector<96x128xbf16>, vector<96x128xf32> -> vector<96x128xf32>
    %add3A_89 = vector.broadcast %get3A_10 : vector<1x128xf32> to vector<96x128xf32>
    %add3A_90 = arith.addf %dot_general3A_88, %add3A_89 : vector<96x128xf32>
    %mul3A_91 = arith.constant 5.000000e-01 : f32
    %mul3A_92 = vector.broadcast %mul3A_91 : f32 to vector<96x128xf32>
    %mul3A_93 = arith.mulf %mul3A_92, %add3A_90 : vector<96x128xf32>
    %mul3A_94 = arith.constant 0.707106769 : f32
    %mul3A_95 = vector.broadcast %mul3A_94 : f32 to vector<96x128xf32>
    %mul3A_96 = arith.mulf %add3A_90, %mul3A_95 : vector<96x128xf32>
    %erf3A_97 = math.erf %mul3A_96 : vector<96x128xf32>
    %add3A_98 = arith.constant 1.000000e+00 : f32
    %add3A_99 = vector.broadcast %add3A_98 : f32 to vector<96x128xf32>
    %add3A_100 = arith.addf %add3A_99, %erf3A_97 : vector<96x128xf32>
    %mul3A_101 = arith.mulf %mul3A_93, %add3A_100 : vector<96x128xf32>
    %convert_element_type3A_102 = arith.truncf %mul3A_101 : vector<96x128xf32> to vector<96x128xbf16>
    %slice3A_103 = vector.extract_strided_slice %convert_element_type3A_21 {offsets = [480, 0], sizes = [96, 128], strides = [1, 1]} : vector<6144x128xbf16> to vector<96x128xbf16>
    %dot_general3A_104 = arith.constant dense<0.000000e+00> : vector<96x128xf32>
    %dot_general3A_105 = tpu.matmul %get3A_1, %slice3A_103, %dot_general3A_104 {dimension_numbers = #tpu.dot_dimension_numbers<[1], [0], [0], [1], [0, 0, 1, 1], [], []>, transpose_lhs_hint = false} : vector<96x96xbf16>, vector<96x128xbf16>, vector<96x128xf32> -> vector<96x128xf32>
    %add3A_106 = vector.broadcast %get3A_10 : vector<1x128xf32> to vector<96x128xf32>
    %add3A_107 = arith.addf %dot_general3A_105, %add3A_106 : vector<96x128xf32>
    %mul3A_108 = arith.constant 5.000000e-01 : f32
    %mul3A_109 = vector.broadcast %mul3A_108 : f32 to vector<96x128xf32>
    %mul3A_110 = arith.mulf %mul3A_109, %add3A_107 : vector<96x128xf32>
    %mul3A_111 = arith.constant 0.707106769 : f32
    %mul3A_112 = vector.broadcast %mul3A_111 : f32 to vector<96x128xf32>
    %mul3A_113 = arith.mulf %add3A_107, %mul3A_112 : vector<96x128xf32>
    %erf3A_114 = math.erf %mul3A_113 : vector<96x128xf32>
    %add3A_115 = arith.constant 1.000000e+00 : f32
    %add3A_116 = vector.broadcast %add3A_115 : f32 to vector<96x128xf32>
    %add3A_117 = arith.addf %add3A_116, %erf3A_114 : vector<96x128xf32>
    %mul3A_118 = arith.mulf %mul3A_110, %add3A_117 : vector<96x128xf32>
    %convert_element_type3A_119 = arith.truncf %mul3A_118 : vector<96x128xf32> to vector<96x128xbf16>
    %slice3A_120 = vector.extract_strided_slice %convert_element_type3A_21 {offsets = [576, 0], sizes = [96, 128], strides = [1, 1]} : vector<6144x128xbf16> to vector<96x128xbf16>
    %dot_general3A_121 = arith.constant dense<0.000000e+00> : vector<96x128xf32>
    %dot_general3A_122 = tpu.matmul %get3A_1, %slice3A_120, %dot_general3A_121 {dimension_numbers = #tpu.dot_dimension_numbers<[1], [0], [0], [1], [0, 0, 1, 1], [], []>, transpose_lhs_hint = false} : vector<96x96xbf16>, vector<96x128xbf16>, vector<96x128xf32> -> vector<96x128xf32>
    %add3A_123 = vector.broadcast %get3A_10 : vector<1x128xf32> to vector<96x128xf32>
    %add3A_124 = arith.addf %dot_general3A_122, %add3A_123 : vector<96x128xf32>
    %mul3A_125 = arith.constant 5.000000e-01 : f32
    %mul3A_126 = vector.broadcast %mul3A_125 : f32 to vector<96x128xf32>
    %mul3A_127 = arith.mulf %mul3A_126, %add3A_124 : vector<96x128xf32>
    %mul3A_128 = arith.constant 0.707106769 : f32
    %mul3A_129 = vector.broadcast %mul3A_128 : f32 to vector<96x128xf32>
    %mul3A_130 = arith.mulf %add3A_124, %mul3A_129 : vector<96x128xf32>
    %erf3A_131 = math.erf %mul3A_130 : vector<96x128xf32>
    %add3A_132 = arith.constant 1.000000e+00 : f32
    %add3A_133 = vector.broadcast %add3A_132 : f32 to vector<96x128xf32>
    %add3A_134 = arith.addf %add3A_133, %erf3A_131 : vector<96x128xf32>
    %mul3A_135 = arith.mulf %mul3A_127, %add3A_134 : vector<96x128xf32>
    %convert_element_type3A_136 = arith.truncf %mul3A_135 : vector<96x128xf32> to vector<96x128xbf16>
    %slice3A_137 = vector.extract_strided_slice %convert_element_type3A_21 {offsets = [672, 0], sizes = [96, 128], strides = [1, 1]} : vector<6144x128xbf16> to vector<96x128xbf16>
    %dot_general3A_138 = arith.constant dense<0.000000e+00> : vector<96x128xf32>
    %dot_general3A_139 = tpu.matmul %get3A_1, %slice3A_137, %dot_general3A_138 {dimension_numbers = #tpu.dot_dimension_numbers<[1], [0], [0], [1], [0, 0, 1, 1], [], []>, transpose_lhs_hint = false} : vector<96x96xbf16>, vector<96x128xbf16>, vector<96x128xf32> -> vector<96x128xf32>
    %add3A_140 = vector.broadcast %get3A_10 : vector<1x128xf32> to vector<96x128xf32>
    %add3A_141 = arith.addf %dot_general3A_139, %add3A_140 : vector<96x128xf32>
    %mul3A_142 = arith.constant 5.000000e-01 : f32
    %mul3A_143 = vector.broadcast %mul3A_142 : f32 to vector<96x128xf32>
    %mul3A_144 = arith.mulf %mul3A_143, %add3A_141 : vector<96x128xf32>
    %mul3A_145 = arith.constant 0.707106769 : f32
    %mul3A_146 = vector.broadcast %mul3A_145 : f32 to vector<96x128xf32>
    %mul3A_147 = arith.mulf %add3A_141, %mul3A_146 : vector<96x128xf32>
    %erf3A_148 = math.erf %mul3A_147 : vector<96x128xf32>
    %add3A_149 = arith.constant 1.000000e+00 : f32
    %add3A_150 = vector.broadcast %add3A_149 : f32 to vector<96x128xf32>
    %add3A_151 = arith.addf %add3A_150, %erf3A_148 : vector<96x128xf32>
    %mul3A_152 = arith.mulf %mul3A_144, %add3A_151 : vector<96x128xf32>
    %convert_element_type3A_153 = arith.truncf %mul3A_152 : vector<96x128xf32> to vector<96x128xbf16>
    %slice3A_154 = vector.extract_strided_slice %convert_element_type3A_21 {offsets = [768, 0], sizes = [96, 128], strides = [1, 1]} : vector<6144x128xbf16> to vector<96x128xbf16>
    %dot_general3A_155 = arith.constant dense<0.000000e+00> : vector<96x128xf32>
    %dot_general3A_156 = tpu.matmul %get3A_1, %slice3A_154, %dot_general3A_155 {dimension_numbers = #tpu.dot_dimension_numbers<[1], [0], [0], [1], [0, 0, 1, 1], [], []>, transpose_lhs_hint = false} : vector<96x96xbf16>, vector<96x128xbf16>, vector<96x128xf32> -> vector<96x128xf32>
    %add3A_157 = vector.broadcast %get3A_10 : vector<1x128xf32> to vector<96x128xf32>
    %add3A_158 = arith.addf %dot_general3A_156, %add3A_157 : vector<96x128xf32>
    %mul3A_159 = arith.constant 5.000000e-01 : f32
    %mul3A_160 = vector.broadcast %mul3A_159 : f32 to vector<96x128xf32>
    %mul3A_161 = arith.mulf %mul3A_160, %add3A_158 : vector<96x128xf32>
    %mul3A_162 = arith.constant 0.707106769 : f32
    %mul3A_163 = vector.broadcast %mul3A_162 : f32 to vector<96x128xf32>
    %mul3A_164 = arith.mulf %add3A_158, %mul3A_163 : vector<96x128xf32>
    %erf3A_165 = math.erf %mul3A_164 : vector<96x128xf32>
    %add3A_166 = arith.constant 1.000000e+00 : f32
    %add3A_167 = vector.broadcast %add3A_166 : f32 to vector<96x128xf32>
    %add3A_168 = arith.addf %add3A_167, %erf3A_165 : vector<96x128xf32>
    %mul3A_169 = arith.mulf %mul3A_161, %add3A_168 : vector<96x128xf32>
    %convert_element_type3A_170 = arith.truncf %mul3A_169 : vector<96x128xf32> to vector<96x128xbf16>
    %slice3A_171 = vector.extract_strided_slice %convert_element_type3A_21 {offsets = [864, 0], sizes = [96, 128], strides = [1, 1]} : vector<6144x128xbf16> to vector<96x128xbf16>
    %dot_general3A_172 = arith.constant dense<0.000000e+00> : vector<96x128xf32>
    %dot_general3A_173 = tpu.matmul %get3A_1, %slice3A_171, %dot_general3A_172 {dimension_numbers = #tpu.dot_dimension_numbers<[1], [0], [0], [1], [0, 0, 1, 1], [], []>, transpose_lhs_hint = false} : vector<96x96xbf16>, vector<96x128xbf16>, vector<96x128xf32> -> vector<96x128xf32>
    %add3A_174 = vector.broadcast %get3A_10 : vector<1x128xf32> to vector<96x128xf32>
    %add3A_175 = arith.addf %dot_general3A_173, %add3A_174 : vector<96x128xf32>
    %mul3A_176 = arith.constant 5.000000e-01 : f32
    %mul3A_177 = vector.broadcast %mul3A_176 : f32 to vector<96x128xf32>
    %mul3A_178 = arith.mulf %mul3A_177, %add3A_175 : vector<96x128xf32>
    %mul3A_179 = arith.constant 0.707106769 : f32
    %mul3A_180 = vector.broadcast %mul3A_179 : f32 to vector<96x128xf32>
    %mul3A_181 = arith.mulf %add3A_175, %mul3A_180 : vector<96x128xf32>
    %erf3A_182 = math.erf %mul3A_181 : vector<96x128xf32>
    %add3A_183 = arith.constant 1.000000e+00 : f32
    %add3A_184 = vector.broadcast %add3A_183 : f32 to vector<96x128xf32>
    %add3A_185 = arith.addf %add3A_184, %erf3A_182 : vector<96x128xf32>
    %mul3A_186 = arith.mulf %mul3A_178, %add3A_185 : vector<96x128xf32>
    %convert_element_type3A_187 = arith.truncf %mul3A_186 : vector<96x128xf32> to vector<96x128xbf16>
    %slice3A_188 = vector.extract_strided_slice %convert_element_type3A_21 {offsets = [960, 0], sizes = [96, 128], strides = [1, 1]} : vector<6144x128xbf16> to vector<96x128xbf16>
    %dot_general3A_189 = arith.constant dense<0.000000e+00> : vector<96x128xf32>
    %dot_general3A_190 = tpu.matmul %get3A_1, %slice3A_188, %dot_general3A_189 {dimension_numbers = #tpu.dot_dimension_numbers<[1], [0], [0], [1], [0, 0, 1, 1], [], []>, transpose_lhs_hint = false} : vector<96x96xbf16>, vector<96x128xbf16>, vector<96x128xf32> -> vector<96x128xf32>
    %add3A_191 = vector.broadcast %get3A_10 : vector<1x128xf32> to vector<96x128xf32>
    %add3A_192 = arith.addf %dot_general3A_190, %add3A_191 : vector<96x128xf32>
    %mul3A_193 = arith.constant 5.000000e-01 : f32
    %mul3A_194 = vector.broadcast %mul3A_193 : f32 to vector<96x128xf32>
    %mul3A_195 = arith.mulf %mul3A_194, %add3A_192 : vector<96x128xf32>
    %mul3A_196 = arith.constant 0.707106769 : f32
    %mul3A_197 = vector.broadcast %mul3A_196 : f32 to vector<96x128xf32>
    %mul3A_198 = arith.mulf %add3A_192, %mul3A_197 : vector<96x128xf32>
    %erf3A_199 = math.erf %mul3A_198 : vector<96x128xf32>
    %add3A_200 = arith.constant 1.000000e+00 : f32
    %add3A_201 = vector.broadcast %add3A_200 : f32 to vector<96x128xf32>
    %add3A_202 = arith.addf %add3A_201, %erf3A_199 : vector<96x128xf32>
    %mul3A_203 = arith.mulf %mul3A_195, %add3A_202 : vector<96x128xf32>
    %convert_element_type3A_204 = arith.truncf %mul3A_203 : vector<96x128xf32> to vector<96x128xbf16>
    %slice3A_205 = vector.extract_strided_slice %convert_element_type3A_21 {offsets = [1056, 0], sizes = [96, 128], strides = [1, 1]} : vector<6144x128xbf16> to vector<96x128xbf16>
    %dot_general3A_206 = arith.constant dense<0.000000e+00> : vector<96x128xf32>
    %dot_general3A_207 = tpu.matmul %get3A_1, %slice3A_205, %dot_general3A_206 {dimension_numbers = #tpu.dot_dimension_numbers<[1], [0], [0], [1], [0, 0, 1, 1], [], []>, transpose_lhs_hint = false} : vector<96x96xbf16>, vector<96x128xbf16>, vector<96x128xf32> -> vector<96x128xf32>
    %add3A_208 = vector.broadcast %get3A_10 : vector<1x128xf32> to vector<96x128xf32>
    %add3A_209 = arith.addf %dot_general3A_207, %add3A_208 : vector<96x128xf32>
    %mul3A_210 = arith.constant 5.000000e-01 : f32
    %mul3A_211 = vector.broadcast %mul3A_210 : f32 to vector<96x128xf32>
    %mul3A_212 = arith.mulf %mul3A_211, %add3A_209 : vector<96x128xf32>
    %mul3A_213 = arith.constant 0.707106769 : f32
    %mul3A_214 = vector.broadcast %mul3A_213 : f32 to vector<96x128xf32>
    %mul3A_215 = arith.mulf %add3A_209, %mul3A_214 : vector<96x128xf32>
    %erf3A_216 = math.erf %mul3A_215 : vector<96x128xf32>
    %add3A_217 = arith.constant 1.000000e+00 : f32
    %add3A_218 = vector.broadcast %add3A_217 : f32 to vector<96x128xf32>
    %add3A_219 = arith.addf %add3A_218, %erf3A_216 : vector<96x128xf32>
    %mul3A_220 = arith.mulf %mul3A_212, %add3A_219 : vector<96x128xf32>
    %convert_element_type3A_221 = arith.truncf %mul3A_220 : vector<96x128xf32> to vector<96x128xbf16>
    %slice3A_222 = vector.extract_strided_slice %convert_element_type3A_21 {offsets = [1152, 0], sizes = [96, 128], strides = [1, 1]} : vector<6144x128xbf16> to vector<96x128xbf16>
    %dot_general3A_223 = arith.constant dense<0.000000e+00> : vector<96x128xf32>
    %dot_general3A_224 = tpu.matmul %get3A_1, %slice3A_222, %dot_general3A_223 {dimension_numbers = #tpu.dot_dimension_numbers<[1], [0], [0], [1], [0, 0, 1, 1], [], []>, transpose_lhs_hint = false} : vector<96x96xbf16>, vector<96x128xbf16>, vector<96x128xf32> -> vector<96x128xf32>
    %add3A_225 = vector.broadcast %get3A_10 : vector<1x128xf32> to vector<96x128xf32>
    %add3A_226 = arith.addf %dot_general3A_224, %add3A_225 : vector<96x128xf32>
    %mul3A_227 = arith.constant 5.000000e-01 : f32
    %mul3A_228 = vector.broadcast %mul3A_227 : f32 to vector<96x128xf32>
    %mul3A_229 = arith.mulf %mul3A_228, %add3A_226 : vector<96x128xf32>
    %mul3A_230 = arith.constant 0.707106769 : f32
    %mul3A_231 = vector.broadcast %mul3A_230 : f32 to vector<96x128xf32>
    %mul3A_232 = arith.mulf %add3A_226, %mul3A_231 : vector<96x128xf32>
    %erf3A_233 = math.erf %mul3A_232 : vector<96x128xf32>
    %add3A_234 = arith.constant 1.000000e+00 : f32
    %add3A_235 = vector.broadcast %add3A_234 : f32 to vector<96x128xf32>
    %add3A_236 = arith.addf %add3A_235, %erf3A_233 : vector<96x128xf32>
    %mul3A_237 = arith.mulf %mul3A_229, %add3A_236 : vector<96x128xf32>
    %convert_element_type3A_238 = arith.truncf %mul3A_237 : vector<96x128xf32> to vector<96x128xbf16>
    %slice3A_239 = vector.extract_strided_slice %convert_element_type3A_21 {offsets = [1248, 0], sizes = [96, 128], strides = [1, 1]} : vector<6144x128xbf16> to vector<96x128xbf16>
    %dot_general3A_240 = arith.constant dense<0.000000e+00> : vector<96x128xf32>
    %dot_general3A_241 = tpu.matmul %get3A_1, %slice3A_239, %dot_general3A_240 {dimension_numbers = #tpu.dot_dimension_numbers<[1], [0], [0], [1], [0, 0, 1, 1], [], []>, transpose_lhs_hint = false} : vector<96x96xbf16>, vector<96x128xbf16>, vector<96x128xf32> -> vector<96x128xf32>
    %add3A_242 = vector.broadcast %get3A_10 : vector<1x128xf32> to vector<96x128xf32>
    %add3A_243 = arith.addf %dot_general3A_241, %add3A_242 : vector<96x128xf32>
    %mul3A_244 = arith.constant 5.000000e-01 : f32
    %mul3A_245 = vector.broadcast %mul3A_244 : f32 to vector<96x128xf32>
    %mul3A_246 = arith.mulf %mul3A_245, %add3A_243 : vector<96x128xf32>
    %mul3A_247 = arith.constant 0.707106769 : f32
    %mul3A_248 = vector.broadcast %mul3A_247 : f32 to vector<96x128xf32>
    %mul3A_249 = arith.mulf %add3A_243, %mul3A_248 : vector<96x128xf32>
    %erf3A_250 = math.erf %mul3A_249 : vector<96x128xf32>
    %add3A_251 = arith.constant 1.000000e+00 : f32
    %add3A_252 = vector.broadcast %add3A_251 : f32 to vector<96x128xf32>
    %add3A_253 = arith.addf %add3A_252, %erf3A_250 : vector<96x128xf32>
    %mul3A_254 = arith.mulf %mul3A_246, %add3A_253 : vector<96x128xf32>
    %convert_element_type3A_255 = arith.truncf %mul3A_254 : vector<96x128xf32> to vector<96x128xbf16>
    %slice3A_256 = vector.extract_strided_slice %convert_element_type3A_21 {offsets = [1344, 0], sizes = [96, 128], strides = [1, 1]} : vector<6144x128xbf16> to vector<96x128xbf16>
    %dot_general3A_257 = arith.constant dense<0.000000e+00> : vector<96x128xf32>
    %dot_general3A_258 = tpu.matmul %get3A_1, %slice3A_256, %dot_general3A_257 {dimension_numbers = #tpu.dot_dimension_numbers<[1], [0], [0], [1], [0, 0, 1, 1], [], []>, transpose_lhs_hint = false} : vector<96x96xbf16>, vector<96x128xbf16>, vector<96x128xf32> -> vector<96x128xf32>
    %add3A_259 = vector.broadcast %get3A_10 : vector<1x128xf32> to vector<96x128xf32>
    %add3A_260 = arith.addf %dot_general3A_258, %add3A_259 : vector<96x128xf32>
    %mul3A_261 = arith.constant 5.000000e-01 : f32
    %mul3A_262 = vector.broadcast %mul3A_261 : f32 to vector<96x128xf32>
    %mul3A_263 = arith.mulf %mul3A_262, %add3A_260 : vector<96x128xf32>
    %mul3A_264 = arith.constant 0.707106769 : f32
    %mul3A_265 = vector.broadcast %mul3A_264 : f32 to vector<96x128xf32>
    %mul3A_266 = arith.mulf %add3A_260, %mul3A_265 : vector<96x128xf32>
    %erf3A_267 = math.erf %mul3A_266 : vector<96x128xf32>
    %add3A_268 = arith.constant 1.000000e+00 : f32
    %add3A_269 = vector.broadcast %add3A_268 : f32 to vector<96x128xf32>
    %add3A_270 = arith.addf %add3A_269, %erf3A_267 : vector<96x128xf32>
    %mul3A_271 = arith.mulf %mul3A_263, %add3A_270 : vector<96x128xf32>
    %convert_element_type3A_272 = arith.truncf %mul3A_271 : vector<96x128xf32> to vector<96x128xbf16>
    %slice3A_273 = vector.extract_strided_slice %convert_element_type3A_21 {offsets = [1440, 0], sizes = [96, 128], strides = [1, 1]} : vector<6144x128xbf16> to vector<96x128xbf16>
    %dot_general3A_274 = arith.constant dense<0.000000e+00> : vector<96x128xf32>
    %dot_general3A_275 = tpu.matmul %get3A_1, %slice3A_273, %dot_general3A_274 {dimension_numbers = #tpu.dot_dimension_numbers<[1], [0], [0], [1], [0, 0, 1, 1], [], []>, transpose_lhs_hint = false} : vector<96x96xbf16>, vector<96x128xbf16>, vector<96x128xf32> -> vector<96x128xf32>
    %add3A_276 = vector.broadcast %get3A_10 : vector<1x128xf32> to vector<96x128xf32>
    %add3A_277 = arith.addf %dot_general3A_275, %add3A_276 : vector<96x128xf32>
    %mul3A_278 = arith.constant 5.000000e-01 : f32
    %mul3A_279 = vector.broadcast %mul3A_278 : f32 to vector<96x128xf32>
    %mul3A_280 = arith.mulf %mul3A_279, %add3A_277 : vector<96x128xf32>
    %mul3A_281 = arith.constant 0.707106769 : f32
    %mul3A_282 = vector.broadcast %mul3A_281 : f32 to vector<96x128xf32>
    %mul3A_283 = arith.mulf %add3A_277, %mul3A_282 : vector<96x128xf32>
    %erf3A_284 = math.erf %mul3A_283 : vector<96x128xf32>
    %add3A_285 = arith.constant 1.000000e+00 : f32
    %add3A_286 = vector.broadcast %add3A_285 : f32 to vector<96x128xf32>
    %add3A_287 = arith.addf %add3A_286, %erf3A_284 : vector<96x128xf32>
    %mul3A_288 = arith.mulf %mul3A_280, %add3A_287 : vector<96x128xf32>
    %convert_element_type3A_289 = arith.truncf %mul3A_288 : vector<96x128xf32> to vector<96x128xbf16>
    %slice3A_290 = vector.extract_strided_slice %convert_element_type3A_21 {offsets = [1536, 0], sizes = [96, 128], strides = [1, 1]} : vector<6144x128xbf16> to vector<96x128xbf16>
    %dot_general3A_291 = arith.constant dense<0.000000e+00> : vector<96x128xf32>
    %dot_general3A_292 = tpu.matmul %get3A_1, %slice3A_290, %dot_general3A_291 {dimension_numbers = #tpu.dot_dimension_numbers<[1], [0], [0], [1], [0, 0, 1, 1], [], []>, transpose_lhs_hint = false} : vector<96x96xbf16>, vector<96x128xbf16>, vector<96x128xf32> -> vector<96x128xf32>
    %add3A_293 = vector.broadcast %get3A_10 : vector<1x128xf32> to vector<96x128xf32>
    %add3A_294 = arith.addf %dot_general3A_292, %add3A_293 : vector<96x128xf32>
    %mul3A_295 = arith.constant 5.000000e-01 : f32
    %mul3A_296 = vector.broadcast %mul3A_295 : f32 to vector<96x128xf32>
    %mul3A_297 = arith.mulf %mul3A_296, %add3A_294 : vector<96x128xf32>
    %mul3A_298 = arith.constant 0.707106769 : f32
    %mul3A_299 = vector.broadcast %mul3A_298 : f32 to vector<96x128xf32>
    %mul3A_300 = arith.mulf %add3A_294, %mul3A_299 : vector<96x128xf32>
    %erf3A_301 = math.erf %mul3A_300 : vector<96x128xf32>
    %add3A_302 = arith.constant 1.000000e+00 : f32
    %add3A_303 = vector.broadcast %add3A_302 : f32 to vector<96x128xf32>
    %add3A_304 = arith.addf %add3A_303, %erf3A_301 : vector<96x128xf32>
    %mul3A_305 = arith.mulf %mul3A_297, %add3A_304 : vector<96x128xf32>
    %convert_element_type3A_306 = arith.truncf %mul3A_305 : vector<96x128xf32> to vector<96x128xbf16>
    %slice3A_307 = vector.extract_strided_slice %convert_element_type3A_21 {offsets = [1632, 0], sizes = [96, 128], strides = [1, 1]} : vector<6144x128xbf16> to vector<96x128xbf16>
    %dot_general3A_308 = arith.constant dense<0.000000e+00> : vector<96x128xf32>
    %dot_general3A_309 = tpu.matmul %get3A_1, %slice3A_307, %dot_general3A_308 {dimension_numbers = #tpu.dot_dimension_numbers<[1], [0], [0], [1], [0, 0, 1, 1], [], []>, transpose_lhs_hint = false} : vector<96x96xbf16>, vector<96x128xbf16>, vector<96x128xf32> -> vector<96x128xf32>
    %add3A_310 = vector.broadcast %get3A_10 : vector<1x128xf32> to vector<96x128xf32>
    %add3A_311 = arith.addf %dot_general3A_309, %add3A_310 : vector<96x128xf32>
    %mul3A_312 = arith.constant 5.000000e-01 : f32
    %mul3A_313 = vector.broadcast %mul3A_312 : f32 to vector<96x128xf32>
    %mul3A_314 = arith.mulf %mul3A_313, %add3A_311 : vector<96x128xf32>
    %mul3A_315 = arith.constant 0.707106769 : f32
    %mul3A_316 = vector.broadcast %mul3A_315 : f32 to vector<96x128xf32>
    %mul3A_317 = arith.mulf %add3A_311, %mul3A_316 : vector<96x128xf32>
    %erf3A_318 = math.erf %mul3A_317 : vector<96x128xf32>
    %add3A_319 = arith.constant 1.000000e+00 : f32
    %add3A_320 = vector.broadcast %add3A_319 : f32 to vector<96x128xf32>
    %add3A_321 = arith.addf %add3A_320, %erf3A_318 : vector<96x128xf32>
    %mul3A_322 = arith.mulf %mul3A_314, %add3A_321 : vector<96x128xf32>
    %convert_element_type3A_323 = arith.truncf %mul3A_322 : vector<96x128xf32> to vector<96x128xbf16>
    %slice3A_324 = vector.extract_strided_slice %convert_element_type3A_21 {offsets = [1728, 0], sizes = [96, 128], strides = [1, 1]} : vector<6144x128xbf16> to vector<96x128xbf16>
    %dot_general3A_325 = arith.constant dense<0.000000e+00> : vector<96x128xf32>
    %dot_general3A_326 = tpu.matmul %get3A_1, %slice3A_324, %dot_general3A_325 {dimension_numbers = #tpu.dot_dimension_numbers<[1], [0], [0], [1], [0, 0, 1, 1], [], []>, transpose_lhs_hint = false} : vector<96x96xbf16>, vector<96x128xbf16>, vector<96x128xf32> -> vector<96x128xf32>
    %add3A_327 = vector.broadcast %get3A_10 : vector<1x128xf32> to vector<96x128xf32>
    %add3A_328 = arith.addf %dot_general3A_326, %add3A_327 : vector<96x128xf32>
    %mul3A_329 = arith.constant 5.000000e-01 : f32
    %mul3A_330 = vector.broadcast %mul3A_329 : f32 to vector<96x128xf32>
    %mul3A_331 = arith.mulf %mul3A_330, %add3A_328 : vector<96x128xf32>
    %mul3A_332 = arith.constant 0.707106769 : f32
    %mul3A_333 = vector.broadcast %mul3A_332 : f32 to vector<96x128xf32>
    %mul3A_334 = arith.mulf %add3A_328, %mul3A_333 : vector<96x128xf32>
    %erf3A_335 = math.erf %mul3A_334 : vector<96x128xf32>
    %add3A_336 = arith.constant 1.000000e+00 : f32
    %add3A_337 = vector.broadcast %add3A_336 : f32 to vector<96x128xf32>
    %add3A_338 = arith.addf %add3A_337, %erf3A_335 : vector<96x128xf32>
    %mul3A_339 = arith.mulf %mul3A_331, %add3A_338 : vector<96x128xf32>
    %convert_element_type3A_340 = arith.truncf %mul3A_339 : vector<96x128xf32> to vector<96x128xbf16>
    %slice3A_341 = vector.extract_strided_slice %convert_element_type3A_21 {offsets = [1824, 0], sizes = [96, 128], strides = [1, 1]} : vector<6144x128xbf16> to vector<96x128xbf16>
    %dot_general3A_342 = arith.constant dense<0.000000e+00> : vector<96x128xf32>
    %dot_general3A_343 = tpu.matmul %get3A_1, %slice3A_341, %dot_general3A_342 {dimension_numbers = #tpu.dot_dimension_numbers<[1], [0], [0], [1], [0, 0, 1, 1], [], []>, transpose_lhs_hint = false} : vector<96x96xbf16>, vector<96x128xbf16>, vector<96x128xf32> -> vector<96x128xf32>
    %add3A_344 = vector.broadcast %get3A_10 : vector<1x128xf32> to vector<96x128xf32>
    %add3A_345 = arith.addf %dot_general3A_343, %add3A_344 : vector<96x128xf32>
    %mul3A_346 = arith.constant 5.000000e-01 : f32
    %mul3A_347 = vector.broadcast %mul3A_346 : f32 to vector<96x128xf32>
    %mul3A_348 = arith.mulf %mul3A_347, %add3A_345 : vector<96x128xf32>
    %mul3A_349 = arith.constant 0.707106769 : f32
    %mul3A_350 = vector.broadcast %mul3A_349 : f32 to vector<96x128xf32>
    %mul3A_351 = arith.mulf %add3A_345, %mul3A_350 : vector<96x128xf32>
    %erf3A_352 = math.erf %mul3A_351 : vector<96x128xf32>
    %add3A_353 = arith.constant 1.000000e+00 : f32
    %add3A_354 = vector.broadcast %add3A_353 : f32 to vector<96x128xf32>
    %add3A_355 = arith.addf %add3A_354, %erf3A_352 : vector<96x128xf32>
    %mul3A_356 = arith.mulf %mul3A_348, %add3A_355 : vector<96x128xf32>
    %convert_element_type3A_357 = arith.truncf %mul3A_356 : vector<96x128xf32> to vector<96x128xbf16>
    %slice3A_358 = vector.extract_strided_slice %convert_element_type3A_21 {offsets = [1920, 0], sizes = [96, 128], strides = [1, 1]} : vector<6144x128xbf16> to vector<96x128xbf16>
    %dot_general3A_359 = arith.constant dense<0.000000e+00> : vector<96x128xf32>
    %dot_general3A_360 = tpu.matmul %get3A_1, %slice3A_358, %dot_general3A_359 {dimension_numbers = #tpu.dot_dimension_numbers<[1], [0], [0], [1], [0, 0, 1, 1], [], []>, transpose_lhs_hint = false} : vector<96x96xbf16>, vector<96x128xbf16>, vector<96x128xf32> -> vector<96x128xf32>
    %add3A_361 = vector.broadcast %get3A_10 : vector<1x128xf32> to vector<96x128xf32>
    %add3A_362 = arith.addf %dot_general3A_360, %add3A_361 : vector<96x128xf32>
    %mul3A_363 = arith.constant 5.000000e-01 : f32
    %mul3A_364 = vector.broadcast %mul3A_363 : f32 to vector<96x128xf32>
    %mul3A_365 = arith.mulf %mul3A_364, %add3A_362 : vector<96x128xf32>
    %mul3A_366 = arith.constant 0.707106769 : f32
    %mul3A_367 = vector.broadcast %mul3A_366 : f32 to vector<96x128xf32>
    %mul3A_368 = arith.mulf %add3A_362, %mul3A_367 : vector<96x128xf32>
    %erf3A_369 = math.erf %mul3A_368 : vector<96x128xf32>
    %add3A_370 = arith.constant 1.000000e+00 : f32
    %add3A_371 = vector.broadcast %add3A_370 : f32 to vector<96x128xf32>
    %add3A_372 = arith.addf %add3A_371, %erf3A_369 : vector<96x128xf32>
    %mul3A_373 = arith.mulf %mul3A_365, %add3A_372 : vector<96x128xf32>
    %convert_element_type3A_374 = arith.truncf %mul3A_373 : vector<96x128xf32> to vector<96x128xbf16>
    %slice3A_375 = vector.extract_strided_slice %convert_element_type3A_21 {offsets = [2016, 0], sizes = [96, 128], strides = [1, 1]} : vector<6144x128xbf16> to vector<96x128xbf16>
    %dot_general3A_376 = arith.constant dense<0.000000e+00> : vector<96x128xf32>
    %dot_general3A_377 = tpu.matmul %get3A_1, %slice3A_375, %dot_general3A_376 {dimension_numbers = #tpu.dot_dimension_numbers<[1], [0], [0], [1], [0, 0, 1, 1], [], []>, transpose_lhs_hint = false} : vector<96x96xbf16>, vector<96x128xbf16>, vector<96x128xf32> -> vector<96x128xf32>
    %add3A_378 = vector.broadcast %get3A_10 : vector<1x128xf32> to vector<96x128xf32>
    %add3A_379 = arith.addf %dot_general3A_377, %add3A_378 : vector<96x128xf32>
    %mul3A_380 = arith.constant 5.000000e-01 : f32
    %mul3A_381 = vector.broadcast %mul3A_380 : f32 to vector<96x128xf32>
    %mul3A_382 = arith.mulf %mul3A_381, %add3A_379 : vector<96x128xf32>
    %mul3A_383 = arith.constant 0.707106769 : f32
    %mul3A_384 = vector.broadcast %mul3A_383 : f32 to vector<96x128xf32>
    %mul3A_385 = arith.mulf %add3A_379, %mul3A_384 : vector<96x128xf32>
    %erf3A_386 = math.erf %mul3A_385 : vector<96x128xf32>
    %add3A_387 = arith.constant 1.000000e+00 : f32
    %add3A_388 = vector.broadcast %add3A_387 : f32 to vector<96x128xf32>
    %add3A_389 = arith.addf %add3A_388, %erf3A_386 : vector<96x128xf32>
    %mul3A_390 = arith.mulf %mul3A_382, %add3A_389 : vector<96x128xf32>
    %convert_element_type3A_391 = arith.truncf %mul3A_390 : vector<96x128xf32> to vector<96x128xbf16>
    %slice3A_392 = vector.extract_strided_slice %convert_element_type3A_21 {offsets = [2112, 0], sizes = [96, 128], strides = [1, 1]} : vector<6144x128xbf16> to vector<96x128xbf16>
    %dot_general3A_393 = arith.constant dense<0.000000e+00> : vector<96x128xf32>
    %dot_general3A_394 = tpu.matmul %get3A_1, %slice3A_392, %dot_general3A_393 {dimension_numbers = #tpu.dot_dimension_numbers<[1], [0], [0], [1], [0, 0, 1, 1], [], []>, transpose_lhs_hint = false} : vector<96x96xbf16>, vector<96x128xbf16>, vector<96x128xf32> -> vector<96x128xf32>
    %add3A_395 = vector.broadcast %get3A_10 : vector<1x128xf32> to vector<96x128xf32>
    %add3A_396 = arith.addf %dot_general3A_394, %add3A_395 : vector<96x128xf32>
    %mul3A_397 = arith.constant 5.000000e-01 : f32
    %mul3A_398 = vector.broadcast %mul3A_397 : f32 to vector<96x128xf32>
    %mul3A_399 = arith.mulf %mul3A_398, %add3A_396 : vector<96x128xf32>
    %mul3A_400 = arith.constant 0.707106769 : f32
    %mul3A_401 = vector.broadcast %mul3A_400 : f32 to vector<96x128xf32>
    %mul3A_402 = arith.mulf %add3A_396, %mul3A_401 : vector<96x128xf32>
    %erf3A_403 = math.erf %mul3A_402 : vector<96x128xf32>
    %add3A_404 = arith.constant 1.000000e+00 : f32
    %add3A_405 = vector.broadcast %add3A_404 : f32 to vector<96x128xf32>
    %add3A_406 = arith.addf %add3A_405, %erf3A_403 : vector<96x128xf32>
    %mul3A_407 = arith.mulf %mul3A_399, %add3A_406 : vector<96x128xf32>
    %convert_element_type3A_408 = arith.truncf %mul3A_407 : vector<96x128xf32> to vector<96x128xbf16>
    %slice3A_409 = vector.extract_strided_slice %convert_element_type3A_21 {offsets = [2208, 0], sizes = [96, 128], strides = [1, 1]} : vector<6144x128xbf16> to vector<96x128xbf16>
    %dot_general3A_410 = arith.constant dense<0.000000e+00> : vector<96x128xf32>
    %dot_general3A_411 = tpu.matmul %get3A_1, %slice3A_409, %dot_general3A_410 {dimension_numbers = #tpu.dot_dimension_numbers<[1], [0], [0], [1], [0, 0, 1, 1], [], []>, transpose_lhs_hint = false} : vector<96x96xbf16>, vector<96x128xbf16>, vector<96x128xf32> -> vector<96x128xf32>
    %add3A_412 = vector.broadcast %get3A_10 : vector<1x128xf32> to vector<96x128xf32>
    %add3A_413 = arith.addf %dot_general3A_411, %add3A_412 : vector<96x128xf32>
    %mul3A_414 = arith.constant 5.000000e-01 : f32
    %mul3A_415 = vector.broadcast %mul3A_414 : f32 to vector<96x128xf32>
    %mul3A_416 = arith.mulf %mul3A_415, %add3A_413 : vector<96x128xf32>
    %mul3A_417 = arith.constant 0.707106769 : f32
    %mul3A_418 = vector.broadcast %mul3A_417 : f32 to vector<96x128xf32>
    %mul3A_419 = arith.mulf %add3A_413, %mul3A_418 : vector<96x128xf32>
    %erf3A_420 = math.erf %mul3A_419 : vector<96x128xf32>
    %add3A_421 = arith.constant 1.000000e+00 : f32
    %add3A_422 = vector.broadcast %add3A_421 : f32 to vector<96x128xf32>
    %add3A_423 = arith.addf %add3A_422, %erf3A_420 : vector<96x128xf32>
    %mul3A_424 = arith.mulf %mul3A_416, %add3A_423 : vector<96x128xf32>
    %convert_element_type3A_425 = arith.truncf %mul3A_424 : vector<96x128xf32> to vector<96x128xbf16>
    %slice3A_426 = vector.extract_strided_slice %convert_element_type3A_21 {offsets = [2304, 0], sizes = [96, 128], strides = [1, 1]} : vector<6144x128xbf16> to vector<96x128xbf16>
    %dot_general3A_427 = arith.constant dense<0.000000e+00> : vector<96x128xf32>
    %dot_general3A_428 = tpu.matmul %get3A_1, %slice3A_426, %dot_general3A_427 {dimension_numbers = #tpu.dot_dimension_numbers<[1], [0], [0], [1], [0, 0, 1, 1], [], []>, transpose_lhs_hint = false} : vector<96x96xbf16>, vector<96x128xbf16>, vector<96x128xf32> -> vector<96x128xf32>
    %add3A_429 = vector.broadcast %get3A_10 : vector<1x128xf32> to vector<96x128xf32>
    %add3A_430 = arith.addf %dot_general3A_428, %add3A_429 : vector<96x128xf32>
    %mul3A_431 = arith.constant 5.000000e-01 : f32
    %mul3A_432 = vector.broadcast %mul3A_431 : f32 to vector<96x128xf32>
    %mul3A_433 = arith.mulf %mul3A_432, %add3A_430 : vector<96x128xf32>
    %mul3A_434 = arith.constant 0.707106769 : f32
    %mul3A_435 = vector.broadcast %mul3A_434 : f32 to vector<96x128xf32>
    %mul3A_436 = arith.mulf %add3A_430, %mul3A_435 : vector<96x128xf32>
    %erf3A_437 = math.erf %mul3A_436 : vector<96x128xf32>
    %add3A_438 = arith.constant 1.000000e+00 : f32
    %add3A_439 = vector.broadcast %add3A_438 : f32 to vector<96x128xf32>
    %add3A_440 = arith.addf %add3A_439, %erf3A_437 : vector<96x128xf32>
    %mul3A_441 = arith.mulf %mul3A_433, %add3A_440 : vector<96x128xf32>
    %convert_element_type3A_442 = arith.truncf %mul3A_441 : vector<96x128xf32> to vector<96x128xbf16>
    %slice3A_443 = vector.extract_strided_slice %convert_element_type3A_21 {offsets = [2400, 0], sizes = [96, 128], strides = [1, 1]} : vector<6144x128xbf16> to vector<96x128xbf16>
    %dot_general3A_444 = arith.constant dense<0.000000e+00> : vector<96x128xf32>
    %dot_general3A_445 = tpu.matmul %get3A_1, %slice3A_443, %dot_general3A_444 {dimension_numbers = #tpu.dot_dimension_numbers<[1], [0], [0], [1], [0, 0, 1, 1], [], []>, transpose_lhs_hint = false} : vector<96x96xbf16>, vector<96x128xbf16>, vector<96x128xf32> -> vector<96x128xf32>
    %add3A_446 = vector.broadcast %get3A_10 : vector<1x128xf32> to vector<96x128xf32>
    %add3A_447 = arith.addf %dot_general3A_445, %add3A_446 : vector<96x128xf32>
    %mul3A_448 = arith.constant 5.000000e-01 : f32
    %mul3A_449 = vector.broadcast %mul3A_448 : f32 to vector<96x128xf32>
    %mul3A_450 = arith.mulf %mul3A_449, %add3A_447 : vector<96x128xf32>
    %mul3A_451 = arith.constant 0.707106769 : f32
    %mul3A_452 = vector.broadcast %mul3A_451 : f32 to vector<96x128xf32>
    %mul3A_453 = arith.mulf %add3A_447, %mul3A_452 : vector<96x128xf32>
    %erf3A_454 = math.erf %mul3A_453 : vector<96x128xf32>
    %add3A_455 = arith.constant 1.000000e+00 : f32
    %add3A_456 = vector.broadcast %add3A_455 : f32 to vector<96x128xf32>
    %add3A_457 = arith.addf %add3A_456, %erf3A_454 : vector<96x128xf32>
    %mul3A_458 = arith.mulf %mul3A_450, %add3A_457 : vector<96x128xf32>
    %convert_element_type3A_459 = arith.truncf %mul3A_458 : vector<96x128xf32> to vector<96x128xbf16>
    %slice3A_460 = vector.extract_strided_slice %convert_element_type3A_21 {offsets = [2496, 0], sizes = [96, 128], strides = [1, 1]} : vector<6144x128xbf16> to vector<96x128xbf16>
    %dot_general3A_461 = arith.constant dense<0.000000e+00> : vector<96x128xf32>
    %dot_general3A_462 = tpu.matmul %get3A_1, %slice3A_460, %dot_general3A_461 {dimension_numbers = #tpu.dot_dimension_numbers<[1], [0], [0], [1], [0, 0, 1, 1], [], []>, transpose_lhs_hint = false} : vector<96x96xbf16>, vector<96x128xbf16>, vector<96x128xf32> -> vector<96x128xf32>
    %add3A_463 = vector.broadcast %get3A_10 : vector<1x128xf32> to vector<96x128xf32>
    %add3A_464 = arith.addf %dot_general3A_462, %add3A_463 : vector<96x128xf32>
    %mul3A_465 = arith.constant 5.000000e-01 : f32
    %mul3A_466 = vector.broadcast %mul3A_465 : f32 to vector<96x128xf32>
    %mul3A_467 = arith.mulf %mul3A_466, %add3A_464 : vector<96x128xf32>
    %mul3A_468 = arith.constant 0.707106769 : f32
    %mul3A_469 = vector.broadcast %mul3A_468 : f32 to vector<96x128xf32>
    %mul3A_470 = arith.mulf %add3A_464, %mul3A_469 : vector<96x128xf32>
    %erf3A_471 = math.erf %mul3A_470 : vector<96x128xf32>
    %add3A_472 = arith.constant 1.000000e+00 : f32
    %add3A_473 = vector.broadcast %add3A_472 : f32 to vector<96x128xf32>
    %add3A_474 = arith.addf %add3A_473, %erf3A_471 : vector<96x128xf32>
    %mul3A_475 = arith.mulf %mul3A_467, %add3A_474 : vector<96x128xf32>
    %convert_element_type3A_476 = arith.truncf %mul3A_475 : vector<96x128xf32> to vector<96x128xbf16>
    %slice3A_477 = vector.extract_strided_slice %convert_element_type3A_21 {offsets = [2592, 0], sizes = [96, 128], strides = [1, 1]} : vector<6144x128xbf16> to vector<96x128xbf16>
    %dot_general3A_478 = arith.constant dense<0.000000e+00> : vector<96x128xf32>
    %dot_general3A_479 = tpu.matmul %get3A_1, %slice3A_477, %dot_general3A_478 {dimension_numbers = #tpu.dot_dimension_numbers<[1], [0], [0], [1], [0, 0, 1, 1], [], []>, transpose_lhs_hint = false} : vector<96x96xbf16>, vector<96x128xbf16>, vector<96x128xf32> -> vector<96x128xf32>
    %add3A_480 = vector.broadcast %get3A_10 : vector<1x128xf32> to vector<96x128xf32>
    %add3A_481 = arith.addf %dot_general3A_479, %add3A_480 : vector<96x128xf32>
    %mul3A_482 = arith.constant 5.000000e-01 : f32
    %mul3A_483 = vector.broadcast %mul3A_482 : f32 to vector<96x128xf32>
    %mul3A_484 = arith.mulf %mul3A_483, %add3A_481 : vector<96x128xf32>
    %mul3A_485 = arith.constant 0.707106769 : f32
    %mul3A_486 = vector.broadcast %mul3A_485 : f32 to vector<96x128xf32>
    %mul3A_487 = arith.mulf %add3A_481, %mul3A_486 : vector<96x128xf32>
    %erf3A_488 = math.erf %mul3A_487 : vector<96x128xf32>
    %add3A_489 = arith.constant 1.000000e+00 : f32
    %add3A_490 = vector.broadcast %add3A_489 : f32 to vector<96x128xf32>
    %add3A_491 = arith.addf %add3A_490, %erf3A_488 : vector<96x128xf32>
    %mul3A_492 = arith.mulf %mul3A_484, %add3A_491 : vector<96x128xf32>
    %convert_element_type3A_493 = arith.truncf %mul3A_492 : vector<96x128xf32> to vector<96x128xbf16>
    %slice3A_494 = vector.extract_strided_slice %convert_element_type3A_21 {offsets = [2688, 0], sizes = [96, 128], strides = [1, 1]} : vector<6144x128xbf16> to vector<96x128xbf16>
    %dot_general3A_495 = arith.constant dense<0.000000e+00> : vector<96x128xf32>
    %dot_general3A_496 = tpu.matmul %get3A_1, %slice3A_494, %dot_general3A_495 {dimension_numbers = #tpu.dot_dimension_numbers<[1], [0], [0], [1], [0, 0, 1, 1], [], []>, transpose_lhs_hint = false} : vector<96x96xbf16>, vector<96x128xbf16>, vector<96x128xf32> -> vector<96x128xf32>
    %add3A_497 = vector.broadcast %get3A_10 : vector<1x128xf32> to vector<96x128xf32>
    %add3A_498 = arith.addf %dot_general3A_496, %add3A_497 : vector<96x128xf32>
    %mul3A_499 = arith.constant 5.000000e-01 : f32
    %mul3A_500 = vector.broadcast %mul3A_499 : f32 to vector<96x128xf32>
    %mul3A_501 = arith.mulf %mul3A_500, %add3A_498 : vector<96x128xf32>
    %mul3A_502 = arith.constant 0.707106769 : f32
    %mul3A_503 = vector.broadcast %mul3A_502 : f32 to vector<96x128xf32>
    %mul3A_504 = arith.mulf %add3A_498, %mul3A_503 : vector<96x128xf32>
    %erf3A_505 = math.erf %mul3A_504 : vector<96x128xf32>
    %add3A_506 = arith.constant 1.000000e+00 : f32
    %add3A_507 = vector.broadcast %add3A_506 : f32 to vector<96x128xf32>
    %add3A_508 = arith.addf %add3A_507, %erf3A_505 : vector<96x128xf32>
    %mul3A_509 = arith.mulf %mul3A_501, %add3A_508 : vector<96x128xf32>
    %convert_element_type3A_510 = arith.truncf %mul3A_509 : vector<96x128xf32> to vector<96x128xbf16>
    %slice3A_511 = vector.extract_strided_slice %convert_element_type3A_21 {offsets = [2784, 0], sizes = [96, 128], strides = [1, 1]} : vector<6144x128xbf16> to vector<96x128xbf16>
    %dot_general3A_512 = arith.constant dense<0.000000e+00> : vector<96x128xf32>
    %dot_general3A_513 = tpu.matmul %get3A_1, %slice3A_511, %dot_general3A_512 {dimension_numbers = #tpu.dot_dimension_numbers<[1], [0], [0], [1], [0, 0, 1, 1], [], []>, transpose_lhs_hint = false} : vector<96x96xbf16>, vector<96x128xbf16>, vector<96x128xf32> -> vector<96x128xf32>
    %add3A_514 = vector.broadcast %get3A_10 : vector<1x128xf32> to vector<96x128xf32>
    %add3A_515 = arith.addf %dot_general3A_513, %add3A_514 : vector<96x128xf32>
    %mul3A_516 = arith.constant 5.000000e-01 : f32
    %mul3A_517 = vector.broadcast %mul3A_516 : f32 to vector<96x128xf32>
    %mul3A_518 = arith.mulf %mul3A_517, %add3A_515 : vector<96x128xf32>
    %mul3A_519 = arith.constant 0.707106769 : f32
    %mul3A_520 = vector.broadcast %mul3A_519 : f32 to vector<96x128xf32>
    %mul3A_521 = arith.mulf %add3A_515, %mul3A_520 : vector<96x128xf32>
    %erf3A_522 = math.erf %mul3A_521 : vector<96x128xf32>
    %add3A_523 = arith.constant 1.000000e+00 : f32
    %add3A_524 = vector.broadcast %add3A_523 : f32 to vector<96x128xf32>
    %add3A_525 = arith.addf %add3A_524, %erf3A_522 : vector<96x128xf32>
    %mul3A_526 = arith.mulf %mul3A_518, %add3A_525 : vector<96x128xf32>
    %convert_element_type3A_527 = arith.truncf %mul3A_526 : vector<96x128xf32> to vector<96x128xbf16>
    %slice3A_528 = vector.extract_strided_slice %convert_element_type3A_21 {offsets = [2880, 0], sizes = [96, 128], strides = [1, 1]} : vector<6144x128xbf16> to vector<96x128xbf16>
    %dot_general3A_529 = arith.constant dense<0.000000e+00> : vector<96x128xf32>
    %dot_general3A_530 = tpu.matmul %get3A_1, %slice3A_528, %dot_general3A_529 {dimension_numbers = #tpu.dot_dimension_numbers<[1], [0], [0], [1], [0, 0, 1, 1], [], []>, transpose_lhs_hint = false} : vector<96x96xbf16>, vector<96x128xbf16>, vector<96x128xf32> -> vector<96x128xf32>
    %add3A_531 = vector.broadcast %get3A_10 : vector<1x128xf32> to vector<96x128xf32>
    %add3A_532 = arith.addf %dot_general3A_530, %add3A_531 : vector<96x128xf32>
    %mul3A_533 = arith.constant 5.000000e-01 : f32
    %mul3A_534 = vector.broadcast %mul3A_533 : f32 to vector<96x128xf32>
    %mul3A_535 = arith.mulf %mul3A_534, %add3A_532 : vector<96x128xf32>
    %mul3A_536 = arith.constant 0.707106769 : f32
    %mul3A_537 = vector.broadcast %mul3A_536 : f32 to vector<96x128xf32>
    %mul3A_538 = arith.mulf %add3A_532, %mul3A_537 : vector<96x128xf32>
    %erf3A_539 = math.erf %mul3A_538 : vector<96x128xf32>
    %add3A_540 = arith.constant 1.000000e+00 : f32
    %add3A_541 = vector.broadcast %add3A_540 : f32 to vector<96x128xf32>
    %add3A_542 = arith.addf %add3A_541, %erf3A_539 : vector<96x128xf32>
    %mul3A_543 = arith.mulf %mul3A_535, %add3A_542 : vector<96x128xf32>
    %convert_element_type3A_544 = arith.truncf %mul3A_543 : vector<96x128xf32> to vector<96x128xbf16>
    %slice3A_545 = vector.extract_strided_slice %convert_element_type3A_21 {offsets = [2976, 0], sizes = [96, 128], strides = [1, 1]} : vector<6144x128xbf16> to vector<96x128xbf16>
    %dot_general3A_546 = arith.constant dense<0.000000e+00> : vector<96x128xf32>
    %dot_general3A_547 = tpu.matmul %get3A_1, %slice3A_545, %dot_general3A_546 {dimension_numbers = #tpu.dot_dimension_numbers<[1], [0], [0], [1], [0, 0, 1, 1], [], []>, transpose_lhs_hint = false} : vector<96x96xbf16>, vector<96x128xbf16>, vector<96x128xf32> -> vector<96x128xf32>
    %add3A_548 = vector.broadcast %get3A_10 : vector<1x128xf32> to vector<96x128xf32>
    %add3A_549 = arith.addf %dot_general3A_547, %add3A_548 : vector<96x128xf32>
    %mul3A_550 = arith.constant 5.000000e-01 : f32
    %mul3A_551 = vector.broadcast %mul3A_550 : f32 to vector<96x128xf32>
    %mul3A_552 = arith.mulf %mul3A_551, %add3A_549 : vector<96x128xf32>
    %mul3A_553 = arith.constant 0.707106769 : f32
    %mul3A_554 = vector.broadcast %mul3A_553 : f32 to vector<96x128xf32>
    %mul3A_555 = arith.mulf %add3A_549, %mul3A_554 : vector<96x128xf32>
    %erf3A_556 = math.erf %mul3A_555 : vector<96x128xf32>
    %add3A_557 = arith.constant 1.000000e+00 : f32
    %add3A_558 = vector.broadcast %add3A_557 : f32 to vector<96x128xf32>
    %add3A_559 = arith.addf %add3A_558, %erf3A_556 : vector<96x128xf32>
    %mul3A_560 = arith.mulf %mul3A_552, %add3A_559 : vector<96x128xf32>
    %convert_element_type3A_561 = arith.truncf %mul3A_560 : vector<96x128xf32> to vector<96x128xbf16>
    %slice3A_562 = vector.extract_strided_slice %convert_element_type3A_21 {offsets = [3072, 0], sizes = [96, 128], strides = [1, 1]} : vector<6144x128xbf16> to vector<96x128xbf16>
    %dot_general3A_563 = arith.constant dense<0.000000e+00> : vector<96x128xf32>
    %dot_general3A_564 = tpu.matmul %get3A_1, %slice3A_562, %dot_general3A_563 {dimension_numbers = #tpu.dot_dimension_numbers<[1], [0], [0], [1], [0, 0, 1, 1], [], []>, transpose_lhs_hint = false} : vector<96x96xbf16>, vector<96x128xbf16>, vector<96x128xf32> -> vector<96x128xf32>
    %add3A_565 = vector.broadcast %get3A_10 : vector<1x128xf32> to vector<96x128xf32>
    %add3A_566 = arith.addf %dot_general3A_564, %add3A_565 : vector<96x128xf32>
    %mul3A_567 = arith.constant 5.000000e-01 : f32
    %mul3A_568 = vector.broadcast %mul3A_567 : f32 to vector<96x128xf32>
    %mul3A_569 = arith.mulf %mul3A_568, %add3A_566 : vector<96x128xf32>
    %mul3A_570 = arith.constant 0.707106769 : f32
    %mul3A_571 = vector.broadcast %mul3A_570 : f32 to vector<96x128xf32>
    %mul3A_572 = arith.mulf %add3A_566, %mul3A_571 : vector<96x128xf32>
    %erf3A_573 = math.erf %mul3A_572 : vector<96x128xf32>
    %add3A_574 = arith.constant 1.000000e+00 : f32
    %add3A_575 = vector.broadcast %add3A_574 : f32 to vector<96x128xf32>
    %add3A_576 = arith.addf %add3A_575, %erf3A_573 : vector<96x128xf32>
    %mul3A_577 = arith.mulf %mul3A_569, %add3A_576 : vector<96x128xf32>
    %convert_element_type3A_578 = arith.truncf %mul3A_577 : vector<96x128xf32> to vector<96x128xbf16>
    %slice3A_579 = vector.extract_strided_slice %convert_element_type3A_21 {offsets = [3168, 0], sizes = [96, 128], strides = [1, 1]} : vector<6144x128xbf16> to vector<96x128xbf16>
    %dot_general3A_580 = arith.constant dense<0.000000e+00> : vector<96x128xf32>
    %dot_general3A_581 = tpu.matmul %get3A_1, %slice3A_579, %dot_general3A_580 {dimension_numbers = #tpu.dot_dimension_numbers<[1], [0], [0], [1], [0, 0, 1, 1], [], []>, transpose_lhs_hint = false} : vector<96x96xbf16>, vector<96x128xbf16>, vector<96x128xf32> -> vector<96x128xf32>
    %add3A_582 = vector.broadcast %get3A_10 : vector<1x128xf32> to vector<96x128xf32>
    %add3A_583 = arith.addf %dot_general3A_581, %add3A_582 : vector<96x128xf32>
    %mul3A_584 = arith.constant 5.000000e-01 : f32
    %mul3A_585 = vector.broadcast %mul3A_584 : f32 to vector<96x128xf32>
    %mul3A_586 = arith.mulf %mul3A_585, %add3A_583 : vector<96x128xf32>
    %mul3A_587 = arith.constant 0.707106769 : f32
    %mul3A_588 = vector.broadcast %mul3A_587 : f32 to vector<96x128xf32>
    %mul3A_589 = arith.mulf %add3A_583, %mul3A_588 : vector<96x128xf32>
    %erf3A_590 = math.erf %mul3A_589 : vector<96x128xf32>
    %add3A_591 = arith.constant 1.000000e+00 : f32
    %add3A_592 = vector.broadcast %add3A_591 : f32 to vector<96x128xf32>
    %add3A_593 = arith.addf %add3A_592, %erf3A_590 : vector<96x128xf32>
    %mul3A_594 = arith.mulf %mul3A_586, %add3A_593 : vector<96x128xf32>
    %convert_element_type3A_595 = arith.truncf %mul3A_594 : vector<96x128xf32> to vector<96x128xbf16>
    %slice3A_596 = vector.extract_strided_slice %convert_element_type3A_21 {offsets = [3264, 0], sizes = [96, 128], strides = [1, 1]} : vector<6144x128xbf16> to vector<96x128xbf16>
    %dot_general3A_597 = arith.constant dense<0.000000e+00> : vector<96x128xf32>
    %dot_general3A_598 = tpu.matmul %get3A_1, %slice3A_596, %dot_general3A_597 {dimension_numbers = #tpu.dot_dimension_numbers<[1], [0], [0], [1], [0, 0, 1, 1], [], []>, transpose_lhs_hint = false} : vector<96x96xbf16>, vector<96x128xbf16>, vector<96x128xf32> -> vector<96x128xf32>
    %add3A_599 = vector.broadcast %get3A_10 : vector<1x128xf32> to vector<96x128xf32>
    %add3A_600 = arith.addf %dot_general3A_598, %add3A_599 : vector<96x128xf32>
    %mul3A_601 = arith.constant 5.000000e-01 : f32
    %mul3A_602 = vector.broadcast %mul3A_601 : f32 to vector<96x128xf32>
    %mul3A_603 = arith.mulf %mul3A_602, %add3A_600 : vector<96x128xf32>
    %mul3A_604 = arith.constant 0.707106769 : f32
    %mul3A_605 = vector.broadcast %mul3A_604 : f32 to vector<96x128xf32>
    %mul3A_606 = arith.mulf %add3A_600, %mul3A_605 : vector<96x128xf32>
    %erf3A_607 = math.erf %mul3A_606 : vector<96x128xf32>
    %add3A_608 = arith.constant 1.000000e+00 : f32
    %add3A_609 = vector.broadcast %add3A_608 : f32 to vector<96x128xf32>
    %add3A_610 = arith.addf %add3A_609, %erf3A_607 : vector<96x128xf32>
    %mul3A_611 = arith.mulf %mul3A_603, %add3A_610 : vector<96x128xf32>
    %convert_element_type3A_612 = arith.truncf %mul3A_611 : vector<96x128xf32> to vector<96x128xbf16>
    %slice3A_613 = vector.extract_strided_slice %convert_element_type3A_21 {offsets = [3360, 0], sizes = [96, 128], strides = [1, 1]} : vector<6144x128xbf16> to vector<96x128xbf16>
    %dot_general3A_614 = arith.constant dense<0.000000e+00> : vector<96x128xf32>
    %dot_general3A_615 = tpu.matmul %get3A_1, %slice3A_613, %dot_general3A_614 {dimension_numbers = #tpu.dot_dimension_numbers<[1], [0], [0], [1], [0, 0, 1, 1], [], []>, transpose_lhs_hint = false} : vector<96x96xbf16>, vector<96x128xbf16>, vector<96x128xf32> -> vector<96x128xf32>
    %add3A_616 = vector.broadcast %get3A_10 : vector<1x128xf32> to vector<96x128xf32>
    %add3A_617 = arith.addf %dot_general3A_615, %add3A_616 : vector<96x128xf32>
    %mul3A_618 = arith.constant 5.000000e-01 : f32
    %mul3A_619 = vector.broadcast %mul3A_618 : f32 to vector<96x128xf32>
    %mul3A_620 = arith.mulf %mul3A_619, %add3A_617 : vector<96x128xf32>
    %mul3A_621 = arith.constant 0.707106769 : f32
    %mul3A_622 = vector.broadcast %mul3A_621 : f32 to vector<96x128xf32>
    %mul3A_623 = arith.mulf %add3A_617, %mul3A_622 : vector<96x128xf32>
    %erf3A_624 = math.erf %mul3A_623 : vector<96x128xf32>
    %add3A_625 = arith.constant 1.000000e+00 : f32
    %add3A_626 = vector.broadcast %add3A_625 : f32 to vector<96x128xf32>
    %add3A_627 = arith.addf %add3A_626, %erf3A_624 : vector<96x128xf32>
    %mul3A_628 = arith.mulf %mul3A_620, %add3A_627 : vector<96x128xf32>
    %convert_element_type3A_629 = arith.truncf %mul3A_628 : vector<96x128xf32> to vector<96x128xbf16>
    %slice3A_630 = vector.extract_strided_slice %convert_element_type3A_21 {offsets = [3456, 0], sizes = [96, 128], strides = [1, 1]} : vector<6144x128xbf16> to vector<96x128xbf16>
    %dot_general3A_631 = arith.constant dense<0.000000e+00> : vector<96x128xf32>
    %dot_general3A_632 = tpu.matmul %get3A_1, %slice3A_630, %dot_general3A_631 {dimension_numbers = #tpu.dot_dimension_numbers<[1], [0], [0], [1], [0, 0, 1, 1], [], []>, transpose_lhs_hint = false} : vector<96x96xbf16>, vector<96x128xbf16>, vector<96x128xf32> -> vector<96x128xf32>
    %add3A_633 = vector.broadcast %get3A_10 : vector<1x128xf32> to vector<96x128xf32>
    %add3A_634 = arith.addf %dot_general3A_632, %add3A_633 : vector<96x128xf32>
    %mul3A_635 = arith.constant 5.000000e-01 : f32
    %mul3A_636 = vector.broadcast %mul3A_635 : f32 to vector<96x128xf32>
    %mul3A_637 = arith.mulf %mul3A_636, %add3A_634 : vector<96x128xf32>
    %mul3A_638 = arith.constant 0.707106769 : f32
    %mul3A_639 = vector.broadcast %mul3A_638 : f32 to vector<96x128xf32>
    %mul3A_640 = arith.mulf %add3A_634, %mul3A_639 : vector<96x128xf32>
    %erf3A_641 = math.erf %mul3A_640 : vector<96x128xf32>
    %add3A_642 = arith.constant 1.000000e+00 : f32
    %add3A_643 = vector.broadcast %add3A_642 : f32 to vector<96x128xf32>
    %add3A_644 = arith.addf %add3A_643, %erf3A_641 : vector<96x128xf32>
    %mul3A_645 = arith.mulf %mul3A_637, %add3A_644 : vector<96x128xf32>
    %convert_element_type3A_646 = arith.truncf %mul3A_645 : vector<96x128xf32> to vector<96x128xbf16>
    %slice3A_647 = vector.extract_strided_slice %convert_element_type3A_21 {offsets = [3552, 0], sizes = [96, 128], strides = [1, 1]} : vector<6144x128xbf16> to vector<96x128xbf16>
    %dot_general3A_648 = arith.constant dense<0.000000e+00> : vector<96x128xf32>
    %dot_general3A_649 = tpu.matmul %get3A_1, %slice3A_647, %dot_general3A_648 {dimension_numbers = #tpu.dot_dimension_numbers<[1], [0], [0], [1], [0, 0, 1, 1], [], []>, transpose_lhs_hint = false} : vector<96x96xbf16>, vector<96x128xbf16>, vector<96x128xf32> -> vector<96x128xf32>
    %add3A_650 = vector.broadcast %get3A_10 : vector<1x128xf32> to vector<96x128xf32>
    %add3A_651 = arith.addf %dot_general3A_649, %add3A_650 : vector<96x128xf32>
    %mul3A_652 = arith.constant 5.000000e-01 : f32
    %mul3A_653 = vector.broadcast %mul3A_652 : f32 to vector<96x128xf32>
    %mul3A_654 = arith.mulf %mul3A_653, %add3A_651 : vector<96x128xf32>
    %mul3A_655 = arith.constant 0.707106769 : f32
    %mul3A_656 = vector.broadcast %mul3A_655 : f32 to vector<96x128xf32>
    %mul3A_657 = arith.mulf %add3A_651, %mul3A_656 : vector<96x128xf32>
    %erf3A_658 = math.erf %mul3A_657 : vector<96x128xf32>
    %add3A_659 = arith.constant 1.000000e+00 : f32
    %add3A_660 = vector.broadcast %add3A_659 : f32 to vector<96x128xf32>
    %add3A_661 = arith.addf %add3A_660, %erf3A_658 : vector<96x128xf32>
    %mul3A_662 = arith.mulf %mul3A_654, %add3A_661 : vector<96x128xf32>
    %convert_element_type3A_663 = arith.truncf %mul3A_662 : vector<96x128xf32> to vector<96x128xbf16>
    %slice3A_664 = vector.extract_strided_slice %convert_element_type3A_21 {offsets = [3648, 0], sizes = [96, 128], strides = [1, 1]} : vector<6144x128xbf16> to vector<96x128xbf16>
    %dot_general3A_665 = arith.constant dense<0.000000e+00> : vector<96x128xf32>
    %dot_general3A_666 = tpu.matmul %get3A_1, %slice3A_664, %dot_general3A_665 {dimension_numbers = #tpu.dot_dimension_numbers<[1], [0], [0], [1], [0, 0, 1, 1], [], []>, transpose_lhs_hint = false} : vector<96x96xbf16>, vector<96x128xbf16>, vector<96x128xf32> -> vector<96x128xf32>
    %add3A_667 = vector.broadcast %get3A_10 : vector<1x128xf32> to vector<96x128xf32>
    %add3A_668 = arith.addf %dot_general3A_666, %add3A_667 : vector<96x128xf32>
    %mul3A_669 = arith.constant 5.000000e-01 : f32
    %mul3A_670 = vector.broadcast %mul3A_669 : f32 to vector<96x128xf32>
    %mul3A_671 = arith.mulf %mul3A_670, %add3A_668 : vector<96x128xf32>
    %mul3A_672 = arith.constant 0.707106769 : f32
    %mul3A_673 = vector.broadcast %mul3A_672 : f32 to vector<96x128xf32>
    %mul3A_674 = arith.mulf %add3A_668, %mul3A_673 : vector<96x128xf32>
    %erf3A_675 = math.erf %mul3A_674 : vector<96x128xf32>
    %add3A_676 = arith.constant 1.000000e+00 : f32
    %add3A_677 = vector.broadcast %add3A_676 : f32 to vector<96x128xf32>
    %add3A_678 = arith.addf %add3A_677, %erf3A_675 : vector<96x128xf32>
    %mul3A_679 = arith.mulf %mul3A_671, %add3A_678 : vector<96x128xf32>
    %convert_element_type3A_680 = arith.truncf %mul3A_679 : vector<96x128xf32> to vector<96x128xbf16>
    %slice3A_681 = vector.extract_strided_slice %convert_element_type3A_21 {offsets = [3744, 0], sizes = [96, 128], strides = [1, 1]} : vector<6144x128xbf16> to vector<96x128xbf16>
    %dot_general3A_682 = arith.constant dense<0.000000e+00> : vector<96x128xf32>
    %dot_general3A_683 = tpu.matmul %get3A_1, %slice3A_681, %dot_general3A_682 {dimension_numbers = #tpu.dot_dimension_numbers<[1], [0], [0], [1], [0, 0, 1, 1], [], []>, transpose_lhs_hint = false} : vector<96x96xbf16>, vector<96x128xbf16>, vector<96x128xf32> -> vector<96x128xf32>
    %add3A_684 = vector.broadcast %get3A_10 : vector<1x128xf32> to vector<96x128xf32>
    %add3A_685 = arith.addf %dot_general3A_683, %add3A_684 : vector<96x128xf32>
    %mul3A_686 = arith.constant 5.000000e-01 : f32
    %mul3A_687 = vector.broadcast %mul3A_686 : f32 to vector<96x128xf32>
    %mul3A_688 = arith.mulf %mul3A_687, %add3A_685 : vector<96x128xf32>
    %mul3A_689 = arith.constant 0.707106769 : f32
    %mul3A_690 = vector.broadcast %mul3A_689 : f32 to vector<96x128xf32>
    %mul3A_691 = arith.mulf %add3A_685, %mul3A_690 : vector<96x128xf32>
    %erf3A_692 = math.erf %mul3A_691 : vector<96x128xf32>
    %add3A_693 = arith.constant 1.000000e+00 : f32
    %add3A_694 = vector.broadcast %add3A_693 : f32 to vector<96x128xf32>
    %add3A_695 = arith.addf %add3A_694, %erf3A_692 : vector<96x128xf32>
    %mul3A_696 = arith.mulf %mul3A_688, %add3A_695 : vector<96x128xf32>
    %convert_element_type3A_697 = arith.truncf %mul3A_696 : vector<96x128xf32> to vector<96x128xbf16>
    %slice3A_698 = vector.extract_strided_slice %convert_element_type3A_21 {offsets = [3840, 0], sizes = [96, 128], strides = [1, 1]} : vector<6144x128xbf16> to vector<96x128xbf16>
    %dot_general3A_699 = arith.constant dense<0.000000e+00> : vector<96x128xf32>
    %dot_general3A_700 = tpu.matmul %get3A_1, %slice3A_698, %dot_general3A_699 {dimension_numbers = #tpu.dot_dimension_numbers<[1], [0], [0], [1], [0, 0, 1, 1], [], []>, transpose_lhs_hint = false} : vector<96x96xbf16>, vector<96x128xbf16>, vector<96x128xf32> -> vector<96x128xf32>
    %add3A_701 = vector.broadcast %get3A_10 : vector<1x128xf32> to vector<96x128xf32>
    %add3A_702 = arith.addf %dot_general3A_700, %add3A_701 : vector<96x128xf32>
    %mul3A_703 = arith.constant 5.000000e-01 : f32
    %mul3A_704 = vector.broadcast %mul3A_703 : f32 to vector<96x128xf32>
    %mul3A_705 = arith.mulf %mul3A_704, %add3A_702 : vector<96x128xf32>
    %mul3A_706 = arith.constant 0.707106769 : f32
    %mul3A_707 = vector.broadcast %mul3A_706 : f32 to vector<96x128xf32>
    %mul3A_708 = arith.mulf %add3A_702, %mul3A_707 : vector<96x128xf32>
    %erf3A_709 = math.erf %mul3A_708 : vector<96x128xf32>
    %add3A_710 = arith.constant 1.000000e+00 : f32
    %add3A_711 = vector.broadcast %add3A_710 : f32 to vector<96x128xf32>
    %add3A_712 = arith.addf %add3A_711, %erf3A_709 : vector<96x128xf32>
    %mul3A_713 = arith.mulf %mul3A_705, %add3A_712 : vector<96x128xf32>
    %convert_element_type3A_714 = arith.truncf %mul3A_713 : vector<96x128xf32> to vector<96x128xbf16>
    %slice3A_715 = vector.extract_strided_slice %convert_element_type3A_21 {offsets = [3936, 0], sizes = [96, 128], strides = [1, 1]} : vector<6144x128xbf16> to vector<96x128xbf16>
    %dot_general3A_716 = arith.constant dense<0.000000e+00> : vector<96x128xf32>
    %dot_general3A_717 = tpu.matmul %get3A_1, %slice3A_715, %dot_general3A_716 {dimension_numbers = #tpu.dot_dimension_numbers<[1], [0], [0], [1], [0, 0, 1, 1], [], []>, transpose_lhs_hint = false} : vector<96x96xbf16>, vector<96x128xbf16>, vector<96x128xf32> -> vector<96x128xf32>
    %add3A_718 = vector.broadcast %get3A_10 : vector<1x128xf32> to vector<96x128xf32>
    %add3A_719 = arith.addf %dot_general3A_717, %add3A_718 : vector<96x128xf32>
    %mul3A_720 = arith.constant 5.000000e-01 : f32
    %mul3A_721 = vector.broadcast %mul3A_720 : f32 to vector<96x128xf32>
    %mul3A_722 = arith.mulf %mul3A_721, %add3A_719 : vector<96x128xf32>
    %mul3A_723 = arith.constant 0.707106769 : f32
    %mul3A_724 = vector.broadcast %mul3A_723 : f32 to vector<96x128xf32>
    %mul3A_725 = arith.mulf %add3A_719, %mul3A_724 : vector<96x128xf32>
    %erf3A_726 = math.erf %mul3A_725 : vector<96x128xf32>
    %add3A_727 = arith.constant 1.000000e+00 : f32
    %add3A_728 = vector.broadcast %add3A_727 : f32 to vector<96x128xf32>
    %add3A_729 = arith.addf %add3A_728, %erf3A_726 : vector<96x128xf32>
    %mul3A_730 = arith.mulf %mul3A_722, %add3A_729 : vector<96x128xf32>
    %convert_element_type3A_731 = arith.truncf %mul3A_730 : vector<96x128xf32> to vector<96x128xbf16>
    %slice3A_732 = vector.extract_strided_slice %convert_element_type3A_21 {offsets = [4032, 0], sizes = [96, 128], strides = [1, 1]} : vector<6144x128xbf16> to vector<96x128xbf16>
    %dot_general3A_733 = arith.constant dense<0.000000e+00> : vector<96x128xf32>
    %dot_general3A_734 = tpu.matmul %get3A_1, %slice3A_732, %dot_general3A_733 {dimension_numbers = #tpu.dot_dimension_numbers<[1], [0], [0], [1], [0, 0, 1, 1], [], []>, transpose_lhs_hint = false} : vector<96x96xbf16>, vector<96x128xbf16>, vector<96x128xf32> -> vector<96x128xf32>
    %add3A_735 = vector.broadcast %get3A_10 : vector<1x128xf32> to vector<96x128xf32>
    %add3A_736 = arith.addf %dot_general3A_734, %add3A_735 : vector<96x128xf32>
    %mul3A_737 = arith.constant 5.000000e-01 : f32
    %mul3A_738 = vector.broadcast %mul3A_737 : f32 to vector<96x128xf32>
    %mul3A_739 = arith.mulf %mul3A_738, %add3A_736 : vector<96x128xf32>
    %mul3A_740 = arith.constant 0.707106769 : f32
    %mul3A_741 = vector.broadcast %mul3A_740 : f32 to vector<96x128xf32>
    %mul3A_742 = arith.mulf %add3A_736, %mul3A_741 : vector<96x128xf32>
    %erf3A_743 = math.erf %mul3A_742 : vector<96x128xf32>
    %add3A_744 = arith.constant 1.000000e+00 : f32
    %add3A_745 = vector.broadcast %add3A_744 : f32 to vector<96x128xf32>
    %add3A_746 = arith.addf %add3A_745, %erf3A_743 : vector<96x128xf32>
    %mul3A_747 = arith.mulf %mul3A_739, %add3A_746 : vector<96x128xf32>
    %convert_element_type3A_748 = arith.truncf %mul3A_747 : vector<96x128xf32> to vector<96x128xbf16>
    %slice3A_749 = vector.extract_strided_slice %convert_element_type3A_21 {offsets = [4128, 0], sizes = [96, 128], strides = [1, 1]} : vector<6144x128xbf16> to vector<96x128xbf16>
    %dot_general3A_750 = arith.constant dense<0.000000e+00> : vector<96x128xf32>
    %dot_general3A_751 = tpu.matmul %get3A_1, %slice3A_749, %dot_general3A_750 {dimension_numbers = #tpu.dot_dimension_numbers<[1], [0], [0], [1], [0, 0, 1, 1], [], []>, transpose_lhs_hint = false} : vector<96x96xbf16>, vector<96x128xbf16>, vector<96x128xf32> -> vector<96x128xf32>
    %add3A_752 = vector.broadcast %get3A_10 : vector<1x128xf32> to vector<96x128xf32>
    %add3A_753 = arith.addf %dot_general3A_751, %add3A_752 : vector<96x128xf32>
    %mul3A_754 = arith.constant 5.000000e-01 : f32
    %mul3A_755 = vector.broadcast %mul3A_754 : f32 to vector<96x128xf32>
    %mul3A_756 = arith.mulf %mul3A_755, %add3A_753 : vector<96x128xf32>
    %mul3A_757 = arith.constant 0.707106769 : f32
    %mul3A_758 = vector.broadcast %mul3A_757 : f32 to vector<96x128xf32>
    %mul3A_759 = arith.mulf %add3A_753, %mul3A_758 : vector<96x128xf32>
    %erf3A_760 = math.erf %mul3A_759 : vector<96x128xf32>
    %add3A_761 = arith.constant 1.000000e+00 : f32
    %add3A_762 = vector.broadcast %add3A_761 : f32 to vector<96x128xf32>
    %add3A_763 = arith.addf %add3A_762, %erf3A_760 : vector<96x128xf32>
    %mul3A_764 = arith.mulf %mul3A_756, %add3A_763 : vector<96x128xf32>
    %convert_element_type3A_765 = arith.truncf %mul3A_764 : vector<96x128xf32> to vector<96x128xbf16>
    %slice3A_766 = vector.extract_strided_slice %convert_element_type3A_21 {offsets = [4224, 0], sizes = [96, 128], strides = [1, 1]} : vector<6144x128xbf16> to vector<96x128xbf16>
    %dot_general3A_767 = arith.constant dense<0.000000e+00> : vector<96x128xf32>
    %dot_general3A_768 = tpu.matmul %get3A_1, %slice3A_766, %dot_general3A_767 {dimension_numbers = #tpu.dot_dimension_numbers<[1], [0], [0], [1], [0, 0, 1, 1], [], []>, transpose_lhs_hint = false} : vector<96x96xbf16>, vector<96x128xbf16>, vector<96x128xf32> -> vector<96x128xf32>
    %add3A_769 = vector.broadcast %get3A_10 : vector<1x128xf32> to vector<96x128xf32>
    %add3A_770 = arith.addf %dot_general3A_768, %add3A_769 : vector<96x128xf32>
    %mul3A_771 = arith.constant 5.000000e-01 : f32
    %mul3A_772 = vector.broadcast %mul3A_771 : f32 to vector<96x128xf32>
    %mul3A_773 = arith.mulf %mul3A_772, %add3A_770 : vector<96x128xf32>
    %mul3A_774 = arith.constant 0.707106769 : f32
    %mul3A_775 = vector.broadcast %mul3A_774 : f32 to vector<96x128xf32>
    %mul3A_776 = arith.mulf %add3A_770, %mul3A_775 : vector<96x128xf32>
    %erf3A_777 = math.erf %mul3A_776 : vector<96x128xf32>
    %add3A_778 = arith.constant 1.000000e+00 : f32
    %add3A_779 = vector.broadcast %add3A_778 : f32 to vector<96x128xf32>
    %add3A_780 = arith.addf %add3A_779, %erf3A_777 : vector<96x128xf32>
    %mul3A_781 = arith.mulf %mul3A_773, %add3A_780 : vector<96x128xf32>
    %convert_element_type3A_782 = arith.truncf %mul3A_781 : vector<96x128xf32> to vector<96x128xbf16>
    %slice3A_783 = vector.extract_strided_slice %convert_element_type3A_21 {offsets = [4320, 0], sizes = [96, 128], strides = [1, 1]} : vector<6144x128xbf16> to vector<96x128xbf16>
    %dot_general3A_784 = arith.constant dense<0.000000e+00> : vector<96x128xf32>
    %dot_general3A_785 = tpu.matmul %get3A_1, %slice3A_783, %dot_general3A_784 {dimension_numbers = #tpu.dot_dimension_numbers<[1], [0], [0], [1], [0, 0, 1, 1], [], []>, transpose_lhs_hint = false} : vector<96x96xbf16>, vector<96x128xbf16>, vector<96x128xf32> -> vector<96x128xf32>
    %add3A_786 = vector.broadcast %get3A_10 : vector<1x128xf32> to vector<96x128xf32>
    %add3A_787 = arith.addf %dot_general3A_785, %add3A_786 : vector<96x128xf32>
    %mul3A_788 = arith.constant 5.000000e-01 : f32
    %mul3A_789 = vector.broadcast %mul3A_788 : f32 to vector<96x128xf32>
    %mul3A_790 = arith.mulf %mul3A_789, %add3A_787 : vector<96x128xf32>
    %mul3A_791 = arith.constant 0.707106769 : f32
    %mul3A_792 = vector.broadcast %mul3A_791 : f32 to vector<96x128xf32>
    %mul3A_793 = arith.mulf %add3A_787, %mul3A_792 : vector<96x128xf32>
    %erf3A_794 = math.erf %mul3A_793 : vector<96x128xf32>
    %add3A_795 = arith.constant 1.000000e+00 : f32
    %add3A_796 = vector.broadcast %add3A_795 : f32 to vector<96x128xf32>
    %add3A_797 = arith.addf %add3A_796, %erf3A_794 : vector<96x128xf32>
    %mul3A_798 = arith.mulf %mul3A_790, %add3A_797 : vector<96x128xf32>
    %convert_element_type3A_799 = arith.truncf %mul3A_798 : vector<96x128xf32> to vector<96x128xbf16>
    %slice3A_800 = vector.extract_strided_slice %convert_element_type3A_21 {offsets = [4416, 0], sizes = [96, 128], strides = [1, 1]} : vector<6144x128xbf16> to vector<96x128xbf16>
    %dot_general3A_801 = arith.constant dense<0.000000e+00> : vector<96x128xf32>
    %dot_general3A_802 = tpu.matmul %get3A_1, %slice3A_800, %dot_general3A_801 {dimension_numbers = #tpu.dot_dimension_numbers<[1], [0], [0], [1], [0, 0, 1, 1], [], []>, transpose_lhs_hint = false} : vector<96x96xbf16>, vector<96x128xbf16>, vector<96x128xf32> -> vector<96x128xf32>
    %add3A_803 = vector.broadcast %get3A_10 : vector<1x128xf32> to vector<96x128xf32>
    %add3A_804 = arith.addf %dot_general3A_802, %add3A_803 : vector<96x128xf32>
    %mul3A_805 = arith.constant 5.000000e-01 : f32
    %mul3A_806 = vector.broadcast %mul3A_805 : f32 to vector<96x128xf32>
    %mul3A_807 = arith.mulf %mul3A_806, %add3A_804 : vector<96x128xf32>
    %mul3A_808 = arith.constant 0.707106769 : f32
    %mul3A_809 = vector.broadcast %mul3A_808 : f32 to vector<96x128xf32>
    %mul3A_810 = arith.mulf %add3A_804, %mul3A_809 : vector<96x128xf32>
    %erf3A_811 = math.erf %mul3A_810 : vector<96x128xf32>
    %add3A_812 = arith.constant 1.000000e+00 : f32
    %add3A_813 = vector.broadcast %add3A_812 : f32 to vector<96x128xf32>
    %add3A_814 = arith.addf %add3A_813, %erf3A_811 : vector<96x128xf32>
    %mul3A_815 = arith.mulf %mul3A_807, %add3A_814 : vector<96x128xf32>
    %convert_element_type3A_816 = arith.truncf %mul3A_815 : vector<96x128xf32> to vector<96x128xbf16>
    %slice3A_817 = vector.extract_strided_slice %convert_element_type3A_21 {offsets = [4512, 0], sizes = [96, 128], strides = [1, 1]} : vector<6144x128xbf16> to vector<96x128xbf16>
    %dot_general3A_818 = arith.constant dense<0.000000e+00> : vector<96x128xf32>
    %dot_general3A_819 = tpu.matmul %get3A_1, %slice3A_817, %dot_general3A_818 {dimension_numbers = #tpu.dot_dimension_numbers<[1], [0], [0], [1], [0, 0, 1, 1], [], []>, transpose_lhs_hint = false} : vector<96x96xbf16>, vector<96x128xbf16>, vector<96x128xf32> -> vector<96x128xf32>
    %add3A_820 = vector.broadcast %get3A_10 : vector<1x128xf32> to vector<96x128xf32>
    %add3A_821 = arith.addf %dot_general3A_819, %add3A_820 : vector<96x128xf32>
    %mul3A_822 = arith.constant 5.000000e-01 : f32
    %mul3A_823 = vector.broadcast %mul3A_822 : f32 to vector<96x128xf32>
    %mul3A_824 = arith.mulf %mul3A_823, %add3A_821 : vector<96x128xf32>
    %mul3A_825 = arith.constant 0.707106769 : f32
    %mul3A_826 = vector.broadcast %mul3A_825 : f32 to vector<96x128xf32>
    %mul3A_827 = arith.mulf %add3A_821, %mul3A_826 : vector<96x128xf32>
    %erf3A_828 = math.erf %mul3A_827 : vector<96x128xf32>
    %add3A_829 = arith.constant 1.000000e+00 : f32
    %add3A_830 = vector.broadcast %add3A_829 : f32 to vector<96x128xf32>
    %add3A_831 = arith.addf %add3A_830, %erf3A_828 : vector<96x128xf32>
    %mul3A_832 = arith.mulf %mul3A_824, %add3A_831 : vector<96x128xf32>
    %convert_element_type3A_833 = arith.truncf %mul3A_832 : vector<96x128xf32> to vector<96x128xbf16>
    %slice3A_834 = vector.extract_strided_slice %convert_element_type3A_21 {offsets = [4608, 0], sizes = [96, 128], strides = [1, 1]} : vector<6144x128xbf16> to vector<96x128xbf16>
    %dot_general3A_835 = arith.constant dense<0.000000e+00> : vector<96x128xf32>
    %dot_general3A_836 = tpu.matmul %get3A_1, %slice3A_834, %dot_general3A_835 {dimension_numbers = #tpu.dot_dimension_numbers<[1], [0], [0], [1], [0, 0, 1, 1], [], []>, transpose_lhs_hint = false} : vector<96x96xbf16>, vector<96x128xbf16>, vector<96x128xf32> -> vector<96x128xf32>
    %add3A_837 = vector.broadcast %get3A_10 : vector<1x128xf32> to vector<96x128xf32>
    %add3A_838 = arith.addf %dot_general3A_836, %add3A_837 : vector<96x128xf32>
    %mul3A_839 = arith.constant 5.000000e-01 : f32
    %mul3A_840 = vector.broadcast %mul3A_839 : f32 to vector<96x128xf32>
    %mul3A_841 = arith.mulf %mul3A_840, %add3A_838 : vector<96x128xf32>
    %mul3A_842 = arith.constant 0.707106769 : f32
    %mul3A_843 = vector.broadcast %mul3A_842 : f32 to vector<96x128xf32>
    %mul3A_844 = arith.mulf %add3A_838, %mul3A_843 : vector<96x128xf32>
    %erf3A_845 = math.erf %mul3A_844 : vector<96x128xf32>
    %add3A_846 = arith.constant 1.000000e+00 : f32
    %add3A_847 = vector.broadcast %add3A_846 : f32 to vector<96x128xf32>
    %add3A_848 = arith.addf %add3A_847, %erf3A_845 : vector<96x128xf32>
    %mul3A_849 = arith.mulf %mul3A_841, %add3A_848 : vector<96x128xf32>
    %convert_element_type3A_850 = arith.truncf %mul3A_849 : vector<96x128xf32> to vector<96x128xbf16>
    %slice3A_851 = vector.extract_strided_slice %convert_element_type3A_21 {offsets = [4704, 0], sizes = [96, 128], strides = [1, 1]} : vector<6144x128xbf16> to vector<96x128xbf16>
    %dot_general3A_852 = arith.constant dense<0.000000e+00> : vector<96x128xf32>
    %dot_general3A_853 = tpu.matmul %get3A_1, %slice3A_851, %dot_general3A_852 {dimension_numbers = #tpu.dot_dimension_numbers<[1], [0], [0], [1], [0, 0, 1, 1], [], []>, transpose_lhs_hint = false} : vector<96x96xbf16>, vector<96x128xbf16>, vector<96x128xf32> -> vector<96x128xf32>
    %add3A_854 = vector.broadcast %get3A_10 : vector<1x128xf32> to vector<96x128xf32>
    %add3A_855 = arith.addf %dot_general3A_853, %add3A_854 : vector<96x128xf32>
    %mul3A_856 = arith.constant 5.000000e-01 : f32
    %mul3A_857 = vector.broadcast %mul3A_856 : f32 to vector<96x128xf32>
    %mul3A_858 = arith.mulf %mul3A_857, %add3A_855 : vector<96x128xf32>
    %mul3A_859 = arith.constant 0.707106769 : f32
    %mul3A_860 = vector.broadcast %mul3A_859 : f32 to vector<96x128xf32>
    %mul3A_861 = arith.mulf %add3A_855, %mul3A_860 : vector<96x128xf32>
    %erf3A_862 = math.erf %mul3A_861 : vector<96x128xf32>
    %add3A_863 = arith.constant 1.000000e+00 : f32
    %add3A_864 = vector.broadcast %add3A_863 : f32 to vector<96x128xf32>
    %add3A_865 = arith.addf %add3A_864, %erf3A_862 : vector<96x128xf32>
    %mul3A_866 = arith.mulf %mul3A_858, %add3A_865 : vector<96x128xf32>
    %convert_element_type3A_867 = arith.truncf %mul3A_866 : vector<96x128xf32> to vector<96x128xbf16>
    %slice3A_868 = vector.extract_strided_slice %convert_element_type3A_21 {offsets = [4800, 0], sizes = [96, 128], strides = [1, 1]} : vector<6144x128xbf16> to vector<96x128xbf16>
    %dot_general3A_869 = arith.constant dense<0.000000e+00> : vector<96x128xf32>
    %dot_general3A_870 = tpu.matmul %get3A_1, %slice3A_868, %dot_general3A_869 {dimension_numbers = #tpu.dot_dimension_numbers<[1], [0], [0], [1], [0, 0, 1, 1], [], []>, transpose_lhs_hint = false} : vector<96x96xbf16>, vector<96x128xbf16>, vector<96x128xf32> -> vector<96x128xf32>
    %add3A_871 = vector.broadcast %get3A_10 : vector<1x128xf32> to vector<96x128xf32>
    %add3A_872 = arith.addf %dot_general3A_870, %add3A_871 : vector<96x128xf32>
    %mul3A_873 = arith.constant 5.000000e-01 : f32
    %mul3A_874 = vector.broadcast %mul3A_873 : f32 to vector<96x128xf32>
    %mul3A_875 = arith.mulf %mul3A_874, %add3A_872 : vector<96x128xf32>
    %mul3A_876 = arith.constant 0.707106769 : f32
    %mul3A_877 = vector.broadcast %mul3A_876 : f32 to vector<96x128xf32>
    %mul3A_878 = arith.mulf %add3A_872, %mul3A_877 : vector<96x128xf32>
    %erf3A_879 = math.erf %mul3A_878 : vector<96x128xf32>
    %add3A_880 = arith.constant 1.000000e+00 : f32
    %add3A_881 = vector.broadcast %add3A_880 : f32 to vector<96x128xf32>
    %add3A_882 = arith.addf %add3A_881, %erf3A_879 : vector<96x128xf32>
    %mul3A_883 = arith.mulf %mul3A_875, %add3A_882 : vector<96x128xf32>
    %convert_element_type3A_884 = arith.truncf %mul3A_883 : vector<96x128xf32> to vector<96x128xbf16>
    %slice3A_885 = vector.extract_strided_slice %convert_element_type3A_21 {offsets = [4896, 0], sizes = [96, 128], strides = [1, 1]} : vector<6144x128xbf16> to vector<96x128xbf16>
    %dot_general3A_886 = arith.constant dense<0.000000e+00> : vector<96x128xf32>
    %dot_general3A_887 = tpu.matmul %get3A_1, %slice3A_885, %dot_general3A_886 {dimension_numbers = #tpu.dot_dimension_numbers<[1], [0], [0], [1], [0, 0, 1, 1], [], []>, transpose_lhs_hint = false} : vector<96x96xbf16>, vector<96x128xbf16>, vector<96x128xf32> -> vector<96x128xf32>
    %add3A_888 = vector.broadcast %get3A_10 : vector<1x128xf32> to vector<96x128xf32>
    %add3A_889 = arith.addf %dot_general3A_887, %add3A_888 : vector<96x128xf32>
    %mul3A_890 = arith.constant 5.000000e-01 : f32
    %mul3A_891 = vector.broadcast %mul3A_890 : f32 to vector<96x128xf32>
    %mul3A_892 = arith.mulf %mul3A_891, %add3A_889 : vector<96x128xf32>
    %mul3A_893 = arith.constant 0.707106769 : f32
    %mul3A_894 = vector.broadcast %mul3A_893 : f32 to vector<96x128xf32>
    %mul3A_895 = arith.mulf %add3A_889, %mul3A_894 : vector<96x128xf32>
    %erf3A_896 = math.erf %mul3A_895 : vector<96x128xf32>
    %add3A_897 = arith.constant 1.000000e+00 : f32
    %add3A_898 = vector.broadcast %add3A_897 : f32 to vector<96x128xf32>
    %add3A_899 = arith.addf %add3A_898, %erf3A_896 : vector<96x128xf32>
    %mul3A_900 = arith.mulf %mul3A_892, %add3A_899 : vector<96x128xf32>
    %convert_element_type3A_901 = arith.truncf %mul3A_900 : vector<96x128xf32> to vector<96x128xbf16>
    %slice3A_902 = vector.extract_strided_slice %convert_element_type3A_21 {offsets = [4992, 0], sizes = [96, 128], strides = [1, 1]} : vector<6144x128xbf16> to vector<96x128xbf16>
    %dot_general3A_903 = arith.constant dense<0.000000e+00> : vector<96x128xf32>
    %dot_general3A_904 = tpu.matmul %get3A_1, %slice3A_902, %dot_general3A_903 {dimension_numbers = #tpu.dot_dimension_numbers<[1], [0], [0], [1], [0, 0, 1, 1], [], []>, transpose_lhs_hint = false} : vector<96x96xbf16>, vector<96x128xbf16>, vector<96x128xf32> -> vector<96x128xf32>
    %add3A_905 = vector.broadcast %get3A_10 : vector<1x128xf32> to vector<96x128xf32>
    %add3A_906 = arith.addf %dot_general3A_904, %add3A_905 : vector<96x128xf32>
    %mul3A_907 = arith.constant 5.000000e-01 : f32
    %mul3A_908 = vector.broadcast %mul3A_907 : f32 to vector<96x128xf32>
    %mul3A_909 = arith.mulf %mul3A_908, %add3A_906 : vector<96x128xf32>
    %mul3A_910 = arith.constant 0.707106769 : f32
    %mul3A_911 = vector.broadcast %mul3A_910 : f32 to vector<96x128xf32>
    %mul3A_912 = arith.mulf %add3A_906, %mul3A_911 : vector<96x128xf32>
    %erf3A_913 = math.erf %mul3A_912 : vector<96x128xf32>
    %add3A_914 = arith.constant 1.000000e+00 : f32
    %add3A_915 = vector.broadcast %add3A_914 : f32 to vector<96x128xf32>
    %add3A_916 = arith.addf %add3A_915, %erf3A_913 : vector<96x128xf32>
    %mul3A_917 = arith.mulf %mul3A_909, %add3A_916 : vector<96x128xf32>
    %convert_element_type3A_918 = arith.truncf %mul3A_917 : vector<96x128xf32> to vector<96x128xbf16>
    %slice3A_919 = vector.extract_strided_slice %convert_element_type3A_21 {offsets = [5088, 0], sizes = [96, 128], strides = [1, 1]} : vector<6144x128xbf16> to vector<96x128xbf16>
    %dot_general3A_920 = arith.constant dense<0.000000e+00> : vector<96x128xf32>
    %dot_general3A_921 = tpu.matmul %get3A_1, %slice3A_919, %dot_general3A_920 {dimension_numbers = #tpu.dot_dimension_numbers<[1], [0], [0], [1], [0, 0, 1, 1], [], []>, transpose_lhs_hint = false} : vector<96x96xbf16>, vector<96x128xbf16>, vector<96x128xf32> -> vector<96x128xf32>
    %add3A_922 = vector.broadcast %get3A_10 : vector<1x128xf32> to vector<96x128xf32>
    %add3A_923 = arith.addf %dot_general3A_921, %add3A_922 : vector<96x128xf32>
    %mul3A_924 = arith.constant 5.000000e-01 : f32
    %mul3A_925 = vector.broadcast %mul3A_924 : f32 to vector<96x128xf32>
    %mul3A_926 = arith.mulf %mul3A_925, %add3A_923 : vector<96x128xf32>
    %mul3A_927 = arith.constant 0.707106769 : f32
    %mul3A_928 = vector.broadcast %mul3A_927 : f32 to vector<96x128xf32>
    %mul3A_929 = arith.mulf %add3A_923, %mul3A_928 : vector<96x128xf32>
    %erf3A_930 = math.erf %mul3A_929 : vector<96x128xf32>
    %add3A_931 = arith.constant 1.000000e+00 : f32
    %add3A_932 = vector.broadcast %add3A_931 : f32 to vector<96x128xf32>
    %add3A_933 = arith.addf %add3A_932, %erf3A_930 : vector<96x128xf32>
    %mul3A_934 = arith.mulf %mul3A_926, %add3A_933 : vector<96x128xf32>
    %convert_element_type3A_935 = arith.truncf %mul3A_934 : vector<96x128xf32> to vector<96x128xbf16>
    %slice3A_936 = vector.extract_strided_slice %convert_element_type3A_21 {offsets = [5184, 0], sizes = [96, 128], strides = [1, 1]} : vector<6144x128xbf16> to vector<96x128xbf16>
    %dot_general3A_937 = arith.constant dense<0.000000e+00> : vector<96x128xf32>
    %dot_general3A_938 = tpu.matmul %get3A_1, %slice3A_936, %dot_general3A_937 {dimension_numbers = #tpu.dot_dimension_numbers<[1], [0], [0], [1], [0, 0, 1, 1], [], []>, transpose_lhs_hint = false} : vector<96x96xbf16>, vector<96x128xbf16>, vector<96x128xf32> -> vector<96x128xf32>
    %add3A_939 = vector.broadcast %get3A_10 : vector<1x128xf32> to vector<96x128xf32>
    %add3A_940 = arith.addf %dot_general3A_938, %add3A_939 : vector<96x128xf32>
    %mul3A_941 = arith.constant 5.000000e-01 : f32
    %mul3A_942 = vector.broadcast %mul3A_941 : f32 to vector<96x128xf32>
    %mul3A_943 = arith.mulf %mul3A_942, %add3A_940 : vector<96x128xf32>
    %mul3A_944 = arith.constant 0.707106769 : f32
    %mul3A_945 = vector.broadcast %mul3A_944 : f32 to vector<96x128xf32>
    %mul3A_946 = arith.mulf %add3A_940, %mul3A_945 : vector<96x128xf32>
    %erf3A_947 = math.erf %mul3A_946 : vector<96x128xf32>
    %add3A_948 = arith.constant 1.000000e+00 : f32
    %add3A_949 = vector.broadcast %add3A_948 : f32 to vector<96x128xf32>
    %add3A_950 = arith.addf %add3A_949, %erf3A_947 : vector<96x128xf32>
    %mul3A_951 = arith.mulf %mul3A_943, %add3A_950 : vector<96x128xf32>
    %convert_element_type3A_952 = arith.truncf %mul3A_951 : vector<96x128xf32> to vector<96x128xbf16>
    %slice3A_953 = vector.extract_strided_slice %convert_element_type3A_21 {offsets = [5280, 0], sizes = [96, 128], strides = [1, 1]} : vector<6144x128xbf16> to vector<96x128xbf16>
    %dot_general3A_954 = arith.constant dense<0.000000e+00> : vector<96x128xf32>
    %dot_general3A_955 = tpu.matmul %get3A_1, %slice3A_953, %dot_general3A_954 {dimension_numbers = #tpu.dot_dimension_numbers<[1], [0], [0], [1], [0, 0, 1, 1], [], []>, transpose_lhs_hint = false} : vector<96x96xbf16>, vector<96x128xbf16>, vector<96x128xf32> -> vector<96x128xf32>
    %add3A_956 = vector.broadcast %get3A_10 : vector<1x128xf32> to vector<96x128xf32>
    %add3A_957 = arith.addf %dot_general3A_955, %add3A_956 : vector<96x128xf32>
    %mul3A_958 = arith.constant 5.000000e-01 : f32
    %mul3A_959 = vector.broadcast %mul3A_958 : f32 to vector<96x128xf32>
    %mul3A_960 = arith.mulf %mul3A_959, %add3A_957 : vector<96x128xf32>
    %mul3A_961 = arith.constant 0.707106769 : f32
    %mul3A_962 = vector.broadcast %mul3A_961 : f32 to vector<96x128xf32>
    %mul3A_963 = arith.mulf %add3A_957, %mul3A_962 : vector<96x128xf32>
    %erf3A_964 = math.erf %mul3A_963 : vector<96x128xf32>
    %add3A_965 = arith.constant 1.000000e+00 : f32
    %add3A_966 = vector.broadcast %add3A_965 : f32 to vector<96x128xf32>
    %add3A_967 = arith.addf %add3A_966, %erf3A_964 : vector<96x128xf32>
    %mul3A_968 = arith.mulf %mul3A_960, %add3A_967 : vector<96x128xf32>
    %convert_element_type3A_969 = arith.truncf %mul3A_968 : vector<96x128xf32> to vector<96x128xbf16>
    %slice3A_970 = vector.extract_strided_slice %convert_element_type3A_21 {offsets = [5376, 0], sizes = [96, 128], strides = [1, 1]} : vector<6144x128xbf16> to vector<96x128xbf16>
    %dot_general3A_971 = arith.constant dense<0.000000e+00> : vector<96x128xf32>
    %dot_general3A_972 = tpu.matmul %get3A_1, %slice3A_970, %dot_general3A_971 {dimension_numbers = #tpu.dot_dimension_numbers<[1], [0], [0], [1], [0, 0, 1, 1], [], []>, transpose_lhs_hint = false} : vector<96x96xbf16>, vector<96x128xbf16>, vector<96x128xf32> -> vector<96x128xf32>
    %add3A_973 = vector.broadcast %get3A_10 : vector<1x128xf32> to vector<96x128xf32>
    %add3A_974 = arith.addf %dot_general3A_972, %add3A_973 : vector<96x128xf32>
    %mul3A_975 = arith.constant 5.000000e-01 : f32
    %mul3A_976 = vector.broadcast %mul3A_975 : f32 to vector<96x128xf32>
    %mul3A_977 = arith.mulf %mul3A_976, %add3A_974 : vector<96x128xf32>
    %mul3A_978 = arith.constant 0.707106769 : f32
    %mul3A_979 = vector.broadcast %mul3A_978 : f32 to vector<96x128xf32>
    %mul3A_980 = arith.mulf %add3A_974, %mul3A_979 : vector<96x128xf32>
    %erf3A_981 = math.erf %mul3A_980 : vector<96x128xf32>
    %add3A_982 = arith.constant 1.000000e+00 : f32
    %add3A_983 = vector.broadcast %add3A_982 : f32 to vector<96x128xf32>
    %add3A_984 = arith.addf %add3A_983, %erf3A_981 : vector<96x128xf32>
    %mul3A_985 = arith.mulf %mul3A_977, %add3A_984 : vector<96x128xf32>
    %convert_element_type3A_986 = arith.truncf %mul3A_985 : vector<96x128xf32> to vector<96x128xbf16>
    %slice3A_987 = vector.extract_strided_slice %convert_element_type3A_21 {offsets = [5472, 0], sizes = [96, 128], strides = [1, 1]} : vector<6144x128xbf16> to vector<96x128xbf16>
    %dot_general3A_988 = arith.constant dense<0.000000e+00> : vector<96x128xf32>
    %dot_general3A_989 = tpu.matmul %get3A_1, %slice3A_987, %dot_general3A_988 {dimension_numbers = #tpu.dot_dimension_numbers<[1], [0], [0], [1], [0, 0, 1, 1], [], []>, transpose_lhs_hint = false} : vector<96x96xbf16>, vector<96x128xbf16>, vector<96x128xf32> -> vector<96x128xf32>
    %add3A_990 = vector.broadcast %get3A_10 : vector<1x128xf32> to vector<96x128xf32>
    %add3A_991 = arith.addf %dot_general3A_989, %add3A_990 : vector<96x128xf32>
    %mul3A_992 = arith.constant 5.000000e-01 : f32
    %mul3A_993 = vector.broadcast %mul3A_992 : f32 to vector<96x128xf32>
    %mul3A_994 = arith.mulf %mul3A_993, %add3A_991 : vector<96x128xf32>
    %mul3A_995 = arith.constant 0.707106769 : f32
    %mul3A_996 = vector.broadcast %mul3A_995 : f32 to vector<96x128xf32>
    %mul3A_997 = arith.mulf %add3A_991, %mul3A_996 : vector<96x128xf32>
    %erf3A_998 = math.erf %mul3A_997 : vector<96x128xf32>
    %add3A_999 = arith.constant 1.000000e+00 : f32
    %add3A_1000 = vector.broadcast %add3A_999 : f32 to vector<96x128xf32>
    %add3A_1001 = arith.addf %add3A_1000, %erf3A_998 : vector<96x128xf32>
    %mul3A_1002 = arith.mulf %mul3A_994, %add3A_1001 : vector<96x128xf32>
    %convert_element_type3A_1003 = arith.truncf %mul3A_1002 : vector<96x128xf32> to vector<96x128xbf16>
    %slice3A_1004 = vector.extract_strided_slice %convert_element_type3A_21 {offsets = [5568, 0], sizes = [96, 128], strides = [1, 1]} : vector<6144x128xbf16> to vector<96x128xbf16>
    %dot_general3A_1005 = arith.constant dense<0.000000e+00> : vector<96x128xf32>
    %dot_general3A_1006 = tpu.matmul %get3A_1, %slice3A_1004, %dot_general3A_1005 {dimension_numbers = #tpu.dot_dimension_numbers<[1], [0], [0], [1], [0, 0, 1, 1], [], []>, transpose_lhs_hint = false} : vector<96x96xbf16>, vector<96x128xbf16>, vector<96x128xf32> -> vector<96x128xf32>
    %add3A_1007 = vector.broadcast %get3A_10 : vector<1x128xf32> to vector<96x128xf32>
    %add3A_1008 = arith.addf %dot_general3A_1006, %add3A_1007 : vector<96x128xf32>
    %mul3A_1009 = arith.constant 5.000000e-01 : f32
    %mul3A_1010 = vector.broadcast %mul3A_1009 : f32 to vector<96x128xf32>
    %mul3A_1011 = arith.mulf %mul3A_1010, %add3A_1008 : vector<96x128xf32>
    %mul3A_1012 = arith.constant 0.707106769 : f32
    %mul3A_1013 = vector.broadcast %mul3A_1012 : f32 to vector<96x128xf32>
    %mul3A_1014 = arith.mulf %add3A_1008, %mul3A_1013 : vector<96x128xf32>
    %erf3A_1015 = math.erf %mul3A_1014 : vector<96x128xf32>
    %add3A_1016 = arith.constant 1.000000e+00 : f32
    %add3A_1017 = vector.broadcast %add3A_1016 : f32 to vector<96x128xf32>
    %add3A_1018 = arith.addf %add3A_1017, %erf3A_1015 : vector<96x128xf32>
    %mul3A_1019 = arith.mulf %mul3A_1011, %add3A_1018 : vector<96x128xf32>
    %convert_element_type3A_1020 = arith.truncf %mul3A_1019 : vector<96x128xf32> to vector<96x128xbf16>
    %slice3A_1021 = vector.extract_strided_slice %convert_element_type3A_21 {offsets = [5664, 0], sizes = [96, 128], strides = [1, 1]} : vector<6144x128xbf16> to vector<96x128xbf16>
    %dot_general3A_1022 = arith.constant dense<0.000000e+00> : vector<96x128xf32>
    %dot_general3A_1023 = tpu.matmul %get3A_1, %slice3A_1021, %dot_general3A_1022 {dimension_numbers = #tpu.dot_dimension_numbers<[1], [0], [0], [1], [0, 0, 1, 1], [], []>, transpose_lhs_hint = false} : vector<96x96xbf16>, vector<96x128xbf16>, vector<96x128xf32> -> vector<96x128xf32>
    %add3A_1024 = vector.broadcast %get3A_10 : vector<1x128xf32> to vector<96x128xf32>
    %add3A_1025 = arith.addf %dot_general3A_1023, %add3A_1024 : vector<96x128xf32>
    %mul3A_1026 = arith.constant 5.000000e-01 : f32
    %mul3A_1027 = vector.broadcast %mul3A_1026 : f32 to vector<96x128xf32>
    %mul3A_1028 = arith.mulf %mul3A_1027, %add3A_1025 : vector<96x128xf32>
    %mul3A_1029 = arith.constant 0.707106769 : f32
    %mul3A_1030 = vector.broadcast %mul3A_1029 : f32 to vector<96x128xf32>
    %mul3A_1031 = arith.mulf %add3A_1025, %mul3A_1030 : vector<96x128xf32>
    %erf3A_1032 = math.erf %mul3A_1031 : vector<96x128xf32>
    %add3A_1033 = arith.constant 1.000000e+00 : f32
    %add3A_1034 = vector.broadcast %add3A_1033 : f32 to vector<96x128xf32>
    %add3A_1035 = arith.addf %add3A_1034, %erf3A_1032 : vector<96x128xf32>
    %mul3A_1036 = arith.mulf %mul3A_1028, %add3A_1035 : vector<96x128xf32>
    %convert_element_type3A_1037 = arith.truncf %mul3A_1036 : vector<96x128xf32> to vector<96x128xbf16>
    %slice3A_1038 = vector.extract_strided_slice %convert_element_type3A_21 {offsets = [5760, 0], sizes = [96, 128], strides = [1, 1]} : vector<6144x128xbf16> to vector<96x128xbf16>
    %dot_general3A_1039 = arith.constant dense<0.000000e+00> : vector<96x128xf32>
    %dot_general3A_1040 = tpu.matmul %get3A_1, %slice3A_1038, %dot_general3A_1039 {dimension_numbers = #tpu.dot_dimension_numbers<[1], [0], [0], [1], [0, 0, 1, 1], [], []>, transpose_lhs_hint = false} : vector<96x96xbf16>, vector<96x128xbf16>, vector<96x128xf32> -> vector<96x128xf32>
    %add3A_1041 = vector.broadcast %get3A_10 : vector<1x128xf32> to vector<96x128xf32>
    %add3A_1042 = arith.addf %dot_general3A_1040, %add3A_1041 : vector<96x128xf32>
    %mul3A_1043 = arith.constant 5.000000e-01 : f32
    %mul3A_1044 = vector.broadcast %mul3A_1043 : f32 to vector<96x128xf32>
    %mul3A_1045 = arith.mulf %mul3A_1044, %add3A_1042 : vector<96x128xf32>
    %mul3A_1046 = arith.constant 0.707106769 : f32
    %mul3A_1047 = vector.broadcast %mul3A_1046 : f32 to vector<96x128xf32>
    %mul3A_1048 = arith.mulf %add3A_1042, %mul3A_1047 : vector<96x128xf32>
    %erf3A_1049 = math.erf %mul3A_1048 : vector<96x128xf32>
    %add3A_1050 = arith.constant 1.000000e+00 : f32
    %add3A_1051 = vector.broadcast %add3A_1050 : f32 to vector<96x128xf32>
    %add3A_1052 = arith.addf %add3A_1051, %erf3A_1049 : vector<96x128xf32>
    %mul3A_1053 = arith.mulf %mul3A_1045, %add3A_1052 : vector<96x128xf32>
    %convert_element_type3A_1054 = arith.truncf %mul3A_1053 : vector<96x128xf32> to vector<96x128xbf16>
    %slice3A_1055 = vector.extract_strided_slice %convert_element_type3A_21 {offsets = [5856, 0], sizes = [96, 128], strides = [1, 1]} : vector<6144x128xbf16> to vector<96x128xbf16>
    %dot_general3A_1056 = arith.constant dense<0.000000e+00> : vector<96x128xf32>
    %dot_general3A_1057 = tpu.matmul %get3A_1, %slice3A_1055, %dot_general3A_1056 {dimension_numbers = #tpu.dot_dimension_numbers<[1], [0], [0], [1], [0, 0, 1, 1], [], []>, transpose_lhs_hint = false} : vector<96x96xbf16>, vector<96x128xbf16>, vector<96x128xf32> -> vector<96x128xf32>
    %add3A_1058 = vector.broadcast %get3A_10 : vector<1x128xf32> to vector<96x128xf32>
    %add3A_1059 = arith.addf %dot_general3A_1057, %add3A_1058 : vector<96x128xf32>
    %mul3A_1060 = arith.constant 5.000000e-01 : f32
    %mul3A_1061 = vector.broadcast %mul3A_1060 : f32 to vector<96x128xf32>
    %mul3A_1062 = arith.mulf %mul3A_1061, %add3A_1059 : vector<96x128xf32>
    %mul3A_1063 = arith.constant 0.707106769 : f32
    %mul3A_1064 = vector.broadcast %mul3A_1063 : f32 to vector<96x128xf32>
    %mul3A_1065 = arith.mulf %add3A_1059, %mul3A_1064 : vector<96x128xf32>
    %erf3A_1066 = math.erf %mul3A_1065 : vector<96x128xf32>
    %add3A_1067 = arith.constant 1.000000e+00 : f32
    %add3A_1068 = vector.broadcast %add3A_1067 : f32 to vector<96x128xf32>
    %add3A_1069 = arith.addf %add3A_1068, %erf3A_1066 : vector<96x128xf32>
    %mul3A_1070 = arith.mulf %mul3A_1062, %add3A_1069 : vector<96x128xf32>
    %convert_element_type3A_1071 = arith.truncf %mul3A_1070 : vector<96x128xf32> to vector<96x128xbf16>
    %slice3A_1072 = vector.extract_strided_slice %convert_element_type3A_21 {offsets = [5952, 0], sizes = [96, 128], strides = [1, 1]} : vector<6144x128xbf16> to vector<96x128xbf16>
    %dot_general3A_1073 = arith.constant dense<0.000000e+00> : vector<96x128xf32>
    %dot_general3A_1074 = tpu.matmul %get3A_1, %slice3A_1072, %dot_general3A_1073 {dimension_numbers = #tpu.dot_dimension_numbers<[1], [0], [0], [1], [0, 0, 1, 1], [], []>, transpose_lhs_hint = false} : vector<96x96xbf16>, vector<96x128xbf16>, vector<96x128xf32> -> vector<96x128xf32>
    %add3A_1075 = vector.broadcast %get3A_10 : vector<1x128xf32> to vector<96x128xf32>
    %add3A_1076 = arith.addf %dot_general3A_1074, %add3A_1075 : vector<96x128xf32>
    %mul3A_1077 = arith.constant 5.000000e-01 : f32
    %mul3A_1078 = vector.broadcast %mul3A_1077 : f32 to vector<96x128xf32>
    %mul3A_1079 = arith.mulf %mul3A_1078, %add3A_1076 : vector<96x128xf32>
    %mul3A_1080 = arith.constant 0.707106769 : f32
    %mul3A_1081 = vector.broadcast %mul3A_1080 : f32 to vector<96x128xf32>
    %mul3A_1082 = arith.mulf %add3A_1076, %mul3A_1081 : vector<96x128xf32>
    %erf3A_1083 = math.erf %mul3A_1082 : vector<96x128xf32>
    %add3A_1084 = arith.constant 1.000000e+00 : f32
    %add3A_1085 = vector.broadcast %add3A_1084 : f32 to vector<96x128xf32>
    %add3A_1086 = arith.addf %add3A_1085, %erf3A_1083 : vector<96x128xf32>
    %mul3A_1087 = arith.mulf %mul3A_1079, %add3A_1086 : vector<96x128xf32>
    %convert_element_type3A_1088 = arith.truncf %mul3A_1087 : vector<96x128xf32> to vector<96x128xbf16>
    %slice3A_1089 = vector.extract_strided_slice %convert_element_type3A_21 {offsets = [6048, 0], sizes = [96, 128], strides = [1, 1]} : vector<6144x128xbf16> to vector<96x128xbf16>
    %dot_general3A_1090 = arith.constant dense<0.000000e+00> : vector<96x128xf32>
    %dot_general3A_1091 = tpu.matmul %get3A_1, %slice3A_1089, %dot_general3A_1090 {dimension_numbers = #tpu.dot_dimension_numbers<[1], [0], [0], [1], [0, 0, 1, 1], [], []>, transpose_lhs_hint = false} : vector<96x96xbf16>, vector<96x128xbf16>, vector<96x128xf32> -> vector<96x128xf32>
    %add3A_1092 = vector.broadcast %get3A_10 : vector<1x128xf32> to vector<96x128xf32>
    %add3A_1093 = arith.addf %dot_general3A_1091, %add3A_1092 : vector<96x128xf32>
    %mul3A_1094 = arith.constant 5.000000e-01 : f32
    %mul3A_1095 = vector.broadcast %mul3A_1094 : f32 to vector<96x128xf32>
    %mul3A_1096 = arith.mulf %mul3A_1095, %add3A_1093 : vector<96x128xf32>
    %mul3A_1097 = arith.constant 0.707106769 : f32
    %mul3A_1098 = vector.broadcast %mul3A_1097 : f32 to vector<96x128xf32>
    %mul3A_1099 = arith.mulf %add3A_1093, %mul3A_1098 : vector<96x128xf32>
    %erf3A_1100 = math.erf %mul3A_1099 : vector<96x128xf32>
    %add3A_1101 = arith.constant 1.000000e+00 : f32
    %add3A_1102 = vector.broadcast %add3A_1101 : f32 to vector<96x128xf32>
    %add3A_1103 = arith.addf %add3A_1102, %erf3A_1100 : vector<96x128xf32>
    %mul3A_1104 = arith.mulf %mul3A_1096, %add3A_1103 : vector<96x128xf32>
    %convert_element_type3A_1105 = arith.truncf %mul3A_1104 : vector<96x128xf32> to vector<96x128xbf16>
    %concatenate3A = tpu.concatenate %convert_element_type3A_34, %convert_element_type3A_51, %convert_element_type3A_68, %convert_element_type3A_85, %convert_element_type3A_102, %convert_element_type3A_119, %convert_element_type3A_136, %convert_element_type3A_153, %convert_element_type3A_170, %convert_element_type3A_187, %convert_element_type3A_204, %convert_element_type3A_221, %convert_element_type3A_238, %convert_element_type3A_255, %convert_element_type3A_272, %convert_element_type3A_289, %convert_element_type3A_306, %convert_element_type3A_323, %convert_element_type3A_340, %convert_element_type3A_357, %convert_element_type3A_374, %convert_element_type3A_391, %convert_element_type3A_408, %convert_element_type3A_425, %convert_element_type3A_442, %convert_element_type3A_459, %convert_element_type3A_476, %convert_element_type3A_493, %convert_element_type3A_510, %convert_element_type3A_527, %convert_element_type3A_544, %convert_element_type3A_561, %convert_element_type3A_578, %convert_element_type3A_595, %convert_element_type3A_612, %convert_element_type3A_629, %convert_element_type3A_646, %convert_element_type3A_663, %convert_element_type3A_680, %convert_element_type3A_697, %convert_element_type3A_714, %convert_element_type3A_731, %convert_element_type3A_748, %convert_element_type3A_765, %convert_element_type3A_782, %convert_element_type3A_799, %convert_element_type3A_816, %convert_element_type3A_833, %convert_element_type3A_850, %convert_element_type3A_867, %convert_element_type3A_884, %convert_element_type3A_901, %convert_element_type3A_918, %convert_element_type3A_935, %convert_element_type3A_952, %convert_element_type3A_969, %convert_element_type3A_986, %convert_element_type3A_1003, %convert_element_type3A_1020, %convert_element_type3A_1037, %convert_element_type3A_1054, %convert_element_type3A_1071, %convert_element_type3A_1088, %convert_element_type3A_1105 in 0 : vector<96x128xbf16>, vector<96x128xbf16>, vector<96x128xbf16>, vector<96x128xbf16>, vector<96x128xbf16>, vector<96x128xbf16>, vector<96x128xbf16>, vector<96x128xbf16>, vector<96x128xbf16>, vector<96x128xbf16>, vector<96x128xbf16>, vector<96x128xbf16>, vector<96x128xbf16>, vector<96x128xbf16>, vector<96x128xbf16>, vector<96x128xbf16>, vector<96x128xbf16>, vector<96x128xbf16>, vector<96x128xbf16>, vector<96x128xbf16>, vector<96x128xbf16>, vector<96x128xbf16>, vector<96x128xbf16>, vector<96x128xbf16>, vector<96x128xbf16>, vector<96x128xbf16>, vector<96x128xbf16>, vector<96x128xbf16>, vector<96x128xbf16>, vector<96x128xbf16>, vector<96x128xbf16>, vector<96x128xbf16>, vector<96x128xbf16>, vector<96x128xbf16>, vector<96x128xbf16>, vector<96x128xbf16>, vector<96x128xbf16>, vector<96x128xbf16>, vector<96x128xbf16>, vector<96x128xbf16>, vector<96x128xbf16>, vector<96x128xbf16>, vector<96x128xbf16>, vector<96x128xbf16>, vector<96x128xbf16>, vector<96x128xbf16>, vector<96x128xbf16>, vector<96x128xbf16>, vector<96x128xbf16>, vector<96x128xbf16>, vector<96x128xbf16>, vector<96x128xbf16>, vector<96x128xbf16>, vector<96x128xbf16>, vector<96x128xbf16>, vector<96x128xbf16>, vector<96x128xbf16>, vector<96x128xbf16>, vector<96x128xbf16>, vector<96x128xbf16>, vector<96x128xbf16>, vector<96x128xbf16>, vector<96x128xbf16>, vector<96x128xbf16> -> vector<6144x128xbf16>
    %dot_general3A_1106 = arith.constant dense<0.000000e+00> : vector<6144x64xf32>
    %dot_general3A_1107 = tpu.matmul %concatenate3A, %get3A_13, %dot_general3A_1106 {dimension_numbers = #tpu.dot_dimension_numbers<[1], [0], [0], [1], [0, 0, 1, 1], [], []>, transpose_lhs_hint = false} : vector<6144x128xbf16>, vector<128x64xbf16>, vector<6144x64xf32> -> vector<6144x64xf32>
    %convert_element_type3A_1108 = arith.truncf %dot_general3A_1107 : vector<6144x64xf32> to vector<6144x64xbf16>
    %slice3A_1109 = vector.extract_strided_slice %convert_element_type3A_1108 {offsets = [0, 0], sizes = [96, 64], strides = [1, 1]} : vector<6144x64xbf16> to vector<96x64xbf16>
    %slice3A_1110 = vector.extract_strided_slice %convert_element_type3A_1108 {offsets = [96, 0], sizes = [96, 64], strides = [1, 1]} : vector<6144x64xbf16> to vector<96x64xbf16>
    %concatenate3A_1111 = tpu.concatenate %slice3A_1109, %slice3A_1110 in 1 : vector<96x64xbf16>, vector<96x64xbf16> -> vector<96x128xbf16>
    %dot_general3A_1112 = arith.constant dense<0.000000e+00> : vector<96x128xf32>
    %dot_general3A_1113 = tpu.matmul %get3A_4, %concatenate3A_1111, %dot_general3A_1112 {dimension_numbers = #tpu.dot_dimension_numbers<[1], [0], [0], [1], [0, 0, 1, 1], [], []>, transpose_lhs_hint = false} : vector<96x96xbf16>, vector<96x128xbf16>, vector<96x128xf32> -> vector<96x128xf32>
    %slice3A_1114 = vector.extract_strided_slice %dot_general3A_1113 {offsets = [0, 0], sizes = [48, 64], strides = [1, 1]} : vector<96x128xf32> to vector<48x64xf32>
    %slice3A_1115 = vector.extract_strided_slice %dot_general3A_1113 {offsets = [48, 0], sizes = [48, 64], strides = [1, 1]} : vector<96x128xf32> to vector<48x64xf32>
    %concatenate3A_1116 = tpu.concatenate %slice3A_1114, %slice3A_1115 in 1 : vector<48x64xf32>, vector<48x64xf32> -> vector<48x128xf32>
    %slice3A_1117 = vector.extract_strided_slice %dot_general3A_1113 {offsets = [0, 64], sizes = [48, 64], strides = [1, 1]} : vector<96x128xf32> to vector<48x64xf32>
    %slice3A_1118 = vector.extract_strided_slice %dot_general3A_1113 {offsets = [48, 64], sizes = [48, 64], strides = [1, 1]} : vector<96x128xf32> to vector<48x64xf32>
    %concatenate3A_1119 = tpu.concatenate %slice3A_1117, %slice3A_1118 in 1 : vector<48x64xf32>, vector<48x64xf32> -> vector<48x128xf32>
    %add3A_1120 = vector.broadcast %get3A_16 : vector<1x128xf32> to vector<48x128xf32>
    %add3A_1121 = arith.addf %concatenate3A_1116, %add3A_1120 : vector<48x128xf32>
    %add3A_1122 = vector.broadcast %get3A_16 : vector<1x128xf32> to vector<48x128xf32>
    %add3A_1123 = arith.addf %concatenate3A_1119, %add3A_1122 : vector<48x128xf32>
    %slice3A_1124 = vector.extract_strided_slice %convert_element_type3A_1108 {offsets = [192, 0], sizes = [96, 64], strides = [1, 1]} : vector<6144x64xbf16> to vector<96x64xbf16>
    %slice3A_1125 = vector.extract_strided_slice %convert_element_type3A_1108 {offsets = [288, 0], sizes = [96, 64], strides = [1, 1]} : vector<6144x64xbf16> to vector<96x64xbf16>
    %concatenate3A_1126 = tpu.concatenate %slice3A_1124, %slice3A_1125 in 1 : vector<96x64xbf16>, vector<96x64xbf16> -> vector<96x128xbf16>
    %dot_general3A_1127 = arith.constant dense<0.000000e+00> : vector<96x128xf32>
    %dot_general3A_1128 = tpu.matmul %get3A_4, %concatenate3A_1126, %dot_general3A_1127 {dimension_numbers = #tpu.dot_dimension_numbers<[1], [0], [0], [1], [0, 0, 1, 1], [], []>, transpose_lhs_hint = false} : vector<96x96xbf16>, vector<96x128xbf16>, vector<96x128xf32> -> vector<96x128xf32>
    %slice3A_1129 = vector.extract_strided_slice %dot_general3A_1128 {offsets = [0, 0], sizes = [48, 64], strides = [1, 1]} : vector<96x128xf32> to vector<48x64xf32>
    %slice3A_1130 = vector.extract_strided_slice %dot_general3A_1128 {offsets = [48, 0], sizes = [48, 64], strides = [1, 1]} : vector<96x128xf32> to vector<48x64xf32>
    %concatenate3A_1131 = tpu.concatenate %slice3A_1129, %slice3A_1130 in 1 : vector<48x64xf32>, vector<48x64xf32> -> vector<48x128xf32>
    %slice3A_1132 = vector.extract_strided_slice %dot_general3A_1128 {offsets = [0, 64], sizes = [48, 64], strides = [1, 1]} : vector<96x128xf32> to vector<48x64xf32>
    %slice3A_1133 = vector.extract_strided_slice %dot_general3A_1128 {offsets = [48, 64], sizes = [48, 64], strides = [1, 1]} : vector<96x128xf32> to vector<48x64xf32>
    %concatenate3A_1134 = tpu.concatenate %slice3A_1132, %slice3A_1133 in 1 : vector<48x64xf32>, vector<48x64xf32> -> vector<48x128xf32>
    %add3A_1135 = vector.broadcast %get3A_16 : vector<1x128xf32> to vector<48x128xf32>
    %add3A_1136 = arith.addf %concatenate3A_1131, %add3A_1135 : vector<48x128xf32>
    %add3A_1137 = vector.broadcast %get3A_16 : vector<1x128xf32> to vector<48x128xf32>
    %add3A_1138 = arith.addf %concatenate3A_1134, %add3A_1137 : vector<48x128xf32>
    %slice3A_1139 = vector.extract_strided_slice %convert_element_type3A_1108 {offsets = [384, 0], sizes = [96, 64], strides = [1, 1]} : vector<6144x64xbf16> to vector<96x64xbf16>
    %slice3A_1140 = vector.extract_strided_slice %convert_element_type3A_1108 {offsets = [480, 0], sizes = [96, 64], strides = [1, 1]} : vector<6144x64xbf16> to vector<96x64xbf16>
    %concatenate3A_1141 = tpu.concatenate %slice3A_1139, %slice3A_1140 in 1 : vector<96x64xbf16>, vector<96x64xbf16> -> vector<96x128xbf16>
    %dot_general3A_1142 = arith.constant dense<0.000000e+00> : vector<96x128xf32>
    %dot_general3A_1143 = tpu.matmul %get3A_4, %concatenate3A_1141, %dot_general3A_1142 {dimension_numbers = #tpu.dot_dimension_numbers<[1], [0], [0], [1], [0, 0, 1, 1], [], []>, transpose_lhs_hint = false} : vector<96x96xbf16>, vector<96x128xbf16>, vector<96x128xf32> -> vector<96x128xf32>
    %slice3A_1144 = vector.extract_strided_slice %dot_general3A_1143 {offsets = [0, 0], sizes = [48, 64], strides = [1, 1]} : vector<96x128xf32> to vector<48x64xf32>
    %slice3A_1145 = vector.extract_strided_slice %dot_general3A_1143 {offsets = [48, 0], sizes = [48, 64], strides = [1, 1]} : vector<96x128xf32> to vector<48x64xf32>
    %concatenate3A_1146 = tpu.concatenate %slice3A_1144, %slice3A_1145 in 1 : vector<48x64xf32>, vector<48x64xf32> -> vector<48x128xf32>
    %slice3A_1147 = vector.extract_strided_slice %dot_general3A_1143 {offsets = [0, 64], sizes = [48, 64], strides = [1, 1]} : vector<96x128xf32> to vector<48x64xf32>
    %slice3A_1148 = vector.extract_strided_slice %dot_general3A_1143 {offsets = [48, 64], sizes = [48, 64], strides = [1, 1]} : vector<96x128xf32> to vector<48x64xf32>
    %concatenate3A_1149 = tpu.concatenate %slice3A_1147, %slice3A_1148 in 1 : vector<48x64xf32>, vector<48x64xf32> -> vector<48x128xf32>
    %add3A_1150 = vector.broadcast %get3A_16 : vector<1x128xf32> to vector<48x128xf32>
    %add3A_1151 = arith.addf %concatenate3A_1146, %add3A_1150 : vector<48x128xf32>
    %add3A_1152 = vector.broadcast %get3A_16 : vector<1x128xf32> to vector<48x128xf32>
    %add3A_1153 = arith.addf %concatenate3A_1149, %add3A_1152 : vector<48x128xf32>
    %slice3A_1154 = vector.extract_strided_slice %convert_element_type3A_1108 {offsets = [576, 0], sizes = [96, 64], strides = [1, 1]} : vector<6144x64xbf16> to vector<96x64xbf16>
    %slice3A_1155 = vector.extract_strided_slice %convert_element_type3A_1108 {offsets = [672, 0], sizes = [96, 64], strides = [1, 1]} : vector<6144x64xbf16> to vector<96x64xbf16>
    %concatenate3A_1156 = tpu.concatenate %slice3A_1154, %slice3A_1155 in 1 : vector<96x64xbf16>, vector<96x64xbf16> -> vector<96x128xbf16>
    %dot_general3A_1157 = arith.constant dense<0.000000e+00> : vector<96x128xf32>
    %dot_general3A_1158 = tpu.matmul %get3A_4, %concatenate3A_1156, %dot_general3A_1157 {dimension_numbers = #tpu.dot_dimension_numbers<[1], [0], [0], [1], [0, 0, 1, 1], [], []>, transpose_lhs_hint = false} : vector<96x96xbf16>, vector<96x128xbf16>, vector<96x128xf32> -> vector<96x128xf32>
    %slice3A_1159 = vector.extract_strided_slice %dot_general3A_1158 {offsets = [0, 0], sizes = [48, 64], strides = [1, 1]} : vector<96x128xf32> to vector<48x64xf32>
    %slice3A_1160 = vector.extract_strided_slice %dot_general3A_1158 {offsets = [48, 0], sizes = [48, 64], strides = [1, 1]} : vector<96x128xf32> to vector<48x64xf32>
    %concatenate3A_1161 = tpu.concatenate %slice3A_1159, %slice3A_1160 in 1 : vector<48x64xf32>, vector<48x64xf32> -> vector<48x128xf32>
    %slice3A_1162 = vector.extract_strided_slice %dot_general3A_1158 {offsets = [0, 64], sizes = [48, 64], strides = [1, 1]} : vector<96x128xf32> to vector<48x64xf32>
    %slice3A_1163 = vector.extract_strided_slice %dot_general3A_1158 {offsets = [48, 64], sizes = [48, 64], strides = [1, 1]} : vector<96x128xf32> to vector<48x64xf32>
    %concatenate3A_1164 = tpu.concatenate %slice3A_1162, %slice3A_1163 in 1 : vector<48x64xf32>, vector<48x64xf32> -> vector<48x128xf32>
    %add3A_1165 = vector.broadcast %get3A_16 : vector<1x128xf32> to vector<48x128xf32>
    %add3A_1166 = arith.addf %concatenate3A_1161, %add3A_1165 : vector<48x128xf32>
    %add3A_1167 = vector.broadcast %get3A_16 : vector<1x128xf32> to vector<48x128xf32>
    %add3A_1168 = arith.addf %concatenate3A_1164, %add3A_1167 : vector<48x128xf32>
    %slice3A_1169 = vector.extract_strided_slice %convert_element_type3A_1108 {offsets = [768, 0], sizes = [96, 64], strides = [1, 1]} : vector<6144x64xbf16> to vector<96x64xbf16>
    %slice3A_1170 = vector.extract_strided_slice %convert_element_type3A_1108 {offsets = [864, 0], sizes = [96, 64], strides = [1, 1]} : vector<6144x64xbf16> to vector<96x64xbf16>
    %concatenate3A_1171 = tpu.concatenate %slice3A_1169, %slice3A_1170 in 1 : vector<96x64xbf16>, vector<96x64xbf16> -> vector<96x128xbf16>
    %dot_general3A_1172 = arith.constant dense<0.000000e+00> : vector<96x128xf32>
    %dot_general3A_1173 = tpu.matmul %get3A_4, %concatenate3A_1171, %dot_general3A_1172 {dimension_numbers = #tpu.dot_dimension_numbers<[1], [0], [0], [1], [0, 0, 1, 1], [], []>, transpose_lhs_hint = false} : vector<96x96xbf16>, vector<96x128xbf16>, vector<96x128xf32> -> vector<96x128xf32>
    %slice3A_1174 = vector.extract_strided_slice %dot_general3A_1173 {offsets = [0, 0], sizes = [48, 64], strides = [1, 1]} : vector<96x128xf32> to vector<48x64xf32>
    %slice3A_1175 = vector.extract_strided_slice %dot_general3A_1173 {offsets = [48, 0], sizes = [48, 64], strides = [1, 1]} : vector<96x128xf32> to vector<48x64xf32>
    %concatenate3A_1176 = tpu.concatenate %slice3A_1174, %slice3A_1175 in 1 : vector<48x64xf32>, vector<48x64xf32> -> vector<48x128xf32>
    %slice3A_1177 = vector.extract_strided_slice %dot_general3A_1173 {offsets = [0, 64], sizes = [48, 64], strides = [1, 1]} : vector<96x128xf32> to vector<48x64xf32>
    %slice3A_1178 = vector.extract_strided_slice %dot_general3A_1173 {offsets = [48, 64], sizes = [48, 64], strides = [1, 1]} : vector<96x128xf32> to vector<48x64xf32>
    %concatenate3A_1179 = tpu.concatenate %slice3A_1177, %slice3A_1178 in 1 : vector<48x64xf32>, vector<48x64xf32> -> vector<48x128xf32>
    %add3A_1180 = vector.broadcast %get3A_16 : vector<1x128xf32> to vector<48x128xf32>
    %add3A_1181 = arith.addf %concatenate3A_1176, %add3A_1180 : vector<48x128xf32>
    %add3A_1182 = vector.broadcast %get3A_16 : vector<1x128xf32> to vector<48x128xf32>
    %add3A_1183 = arith.addf %concatenate3A_1179, %add3A_1182 : vector<48x128xf32>
    %slice3A_1184 = vector.extract_strided_slice %convert_element_type3A_1108 {offsets = [960, 0], sizes = [96, 64], strides = [1, 1]} : vector<6144x64xbf16> to vector<96x64xbf16>
    %slice3A_1185 = vector.extract_strided_slice %convert_element_type3A_1108 {offsets = [1056, 0], sizes = [96, 64], strides = [1, 1]} : vector<6144x64xbf16> to vector<96x64xbf16>
    %concatenate3A_1186 = tpu.concatenate %slice3A_1184, %slice3A_1185 in 1 : vector<96x64xbf16>, vector<96x64xbf16> -> vector<96x128xbf16>
    %dot_general3A_1187 = arith.constant dense<0.000000e+00> : vector<96x128xf32>
    %dot_general3A_1188 = tpu.matmul %get3A_4, %concatenate3A_1186, %dot_general3A_1187 {dimension_numbers = #tpu.dot_dimension_numbers<[1], [0], [0], [1], [0, 0, 1, 1], [], []>, transpose_lhs_hint = false} : vector<96x96xbf16>, vector<96x128xbf16>, vector<96x128xf32> -> vector<96x128xf32>
    %slice3A_1189 = vector.extract_strided_slice %dot_general3A_1188 {offsets = [0, 0], sizes = [48, 64], strides = [1, 1]} : vector<96x128xf32> to vector<48x64xf32>
    %slice3A_1190 = vector.extract_strided_slice %dot_general3A_1188 {offsets = [48, 0], sizes = [48, 64], strides = [1, 1]} : vector<96x128xf32> to vector<48x64xf32>
    %concatenate3A_1191 = tpu.concatenate %slice3A_1189, %slice3A_1190 in 1 : vector<48x64xf32>, vector<48x64xf32> -> vector<48x128xf32>
    %slice3A_1192 = vector.extract_strided_slice %dot_general3A_1188 {offsets = [0, 64], sizes = [48, 64], strides = [1, 1]} : vector<96x128xf32> to vector<48x64xf32>
    %slice3A_1193 = vector.extract_strided_slice %dot_general3A_1188 {offsets = [48, 64], sizes = [48, 64], strides = [1, 1]} : vector<96x128xf32> to vector<48x64xf32>
    %concatenate3A_1194 = tpu.concatenate %slice3A_1192, %slice3A_1193 in 1 : vector<48x64xf32>, vector<48x64xf32> -> vector<48x128xf32>
    %add3A_1195 = vector.broadcast %get3A_16 : vector<1x128xf32> to vector<48x128xf32>
    %add3A_1196 = arith.addf %concatenate3A_1191, %add3A_1195 : vector<48x128xf32>
    %add3A_1197 = vector.broadcast %get3A_16 : vector<1x128xf32> to vector<48x128xf32>
    %add3A_1198 = arith.addf %concatenate3A_1194, %add3A_1197 : vector<48x128xf32>
    %slice3A_1199 = vector.extract_strided_slice %convert_element_type3A_1108 {offsets = [1152, 0], sizes = [96, 64], strides = [1, 1]} : vector<6144x64xbf16> to vector<96x64xbf16>
    %slice3A_1200 = vector.extract_strided_slice %convert_element_type3A_1108 {offsets = [1248, 0], sizes = [96, 64], strides = [1, 1]} : vector<6144x64xbf16> to vector<96x64xbf16>
    %concatenate3A_1201 = tpu.concatenate %slice3A_1199, %slice3A_1200 in 1 : vector<96x64xbf16>, vector<96x64xbf16> -> vector<96x128xbf16>
    %dot_general3A_1202 = arith.constant dense<0.000000e+00> : vector<96x128xf32>
    %dot_general3A_1203 = tpu.matmul %get3A_4, %concatenate3A_1201, %dot_general3A_1202 {dimension_numbers = #tpu.dot_dimension_numbers<[1], [0], [0], [1], [0, 0, 1, 1], [], []>, transpose_lhs_hint = false} : vector<96x96xbf16>, vector<96x128xbf16>, vector<96x128xf32> -> vector<96x128xf32>
    %slice3A_1204 = vector.extract_strided_slice %dot_general3A_1203 {offsets = [0, 0], sizes = [48, 64], strides = [1, 1]} : vector<96x128xf32> to vector<48x64xf32>
    %slice3A_1205 = vector.extract_strided_slice %dot_general3A_1203 {offsets = [48, 0], sizes = [48, 64], strides = [1, 1]} : vector<96x128xf32> to vector<48x64xf32>
    %concatenate3A_1206 = tpu.concatenate %slice3A_1204, %slice3A_1205 in 1 : vector<48x64xf32>, vector<48x64xf32> -> vector<48x128xf32>
    %slice3A_1207 = vector.extract_strided_slice %dot_general3A_1203 {offsets = [0, 64], sizes = [48, 64], strides = [1, 1]} : vector<96x128xf32> to vector<48x64xf32>
    %slice3A_1208 = vector.extract_strided_slice %dot_general3A_1203 {offsets = [48, 64], sizes = [48, 64], strides = [1, 1]} : vector<96x128xf32> to vector<48x64xf32>
    %concatenate3A_1209 = tpu.concatenate %slice3A_1207, %slice3A_1208 in 1 : vector<48x64xf32>, vector<48x64xf32> -> vector<48x128xf32>
    %add3A_1210 = vector.broadcast %get3A_16 : vector<1x128xf32> to vector<48x128xf32>
    %add3A_1211 = arith.addf %concatenate3A_1206, %add3A_1210 : vector<48x128xf32>
    %add3A_1212 = vector.broadcast %get3A_16 : vector<1x128xf32> to vector<48x128xf32>
    %add3A_1213 = arith.addf %concatenate3A_1209, %add3A_1212 : vector<48x128xf32>
    %slice3A_1214 = vector.extract_strided_slice %convert_element_type3A_1108 {offsets = [1344, 0], sizes = [96, 64], strides = [1, 1]} : vector<6144x64xbf16> to vector<96x64xbf16>
    %slice3A_1215 = vector.extract_strided_slice %convert_element_type3A_1108 {offsets = [1440, 0], sizes = [96, 64], strides = [1, 1]} : vector<6144x64xbf16> to vector<96x64xbf16>
    %concatenate3A_1216 = tpu.concatenate %slice3A_1214, %slice3A_1215 in 1 : vector<96x64xbf16>, vector<96x64xbf16> -> vector<96x128xbf16>
    %dot_general3A_1217 = arith.constant dense<0.000000e+00> : vector<96x128xf32>
    %dot_general3A_1218 = tpu.matmul %get3A_4, %concatenate3A_1216, %dot_general3A_1217 {dimension_numbers = #tpu.dot_dimension_numbers<[1], [0], [0], [1], [0, 0, 1, 1], [], []>, transpose_lhs_hint = false} : vector<96x96xbf16>, vector<96x128xbf16>, vector<96x128xf32> -> vector<96x128xf32>
    %slice3A_1219 = vector.extract_strided_slice %dot_general3A_1218 {offsets = [0, 0], sizes = [48, 64], strides = [1, 1]} : vector<96x128xf32> to vector<48x64xf32>
    %slice3A_1220 = vector.extract_strided_slice %dot_general3A_1218 {offsets = [48, 0], sizes = [48, 64], strides = [1, 1]} : vector<96x128xf32> to vector<48x64xf32>
    %concatenate3A_1221 = tpu.concatenate %slice3A_1219, %slice3A_1220 in 1 : vector<48x64xf32>, vector<48x64xf32> -> vector<48x128xf32>
    %slice3A_1222 = vector.extract_strided_slice %dot_general3A_1218 {offsets = [0, 64], sizes = [48, 64], strides = [1, 1]} : vector<96x128xf32> to vector<48x64xf32>
    %slice3A_1223 = vector.extract_strided_slice %dot_general3A_1218 {offsets = [48, 64], sizes = [48, 64], strides = [1, 1]} : vector<96x128xf32> to vector<48x64xf32>
    %concatenate3A_1224 = tpu.concatenate %slice3A_1222, %slice3A_1223 in 1 : vector<48x64xf32>, vector<48x64xf32> -> vector<48x128xf32>
    %add3A_1225 = vector.broadcast %get3A_16 : vector<1x128xf32> to vector<48x128xf32>
    %add3A_1226 = arith.addf %concatenate3A_1221, %add3A_1225 : vector<48x128xf32>
    %add3A_1227 = vector.broadcast %get3A_16 : vector<1x128xf32> to vector<48x128xf32>
    %add3A_1228 = arith.addf %concatenate3A_1224, %add3A_1227 : vector<48x128xf32>
    %slice3A_1229 = vector.extract_strided_slice %convert_element_type3A_1108 {offsets = [1536, 0], sizes = [96, 64], strides = [1, 1]} : vector<6144x64xbf16> to vector<96x64xbf16>
    %slice3A_1230 = vector.extract_strided_slice %convert_element_type3A_1108 {offsets = [1632, 0], sizes = [96, 64], strides = [1, 1]} : vector<6144x64xbf16> to vector<96x64xbf16>
    %concatenate3A_1231 = tpu.concatenate %slice3A_1229, %slice3A_1230 in 1 : vector<96x64xbf16>, vector<96x64xbf16> -> vector<96x128xbf16>
    %dot_general3A_1232 = arith.constant dense<0.000000e+00> : vector<96x128xf32>
    %dot_general3A_1233 = tpu.matmul %get3A_4, %concatenate3A_1231, %dot_general3A_1232 {dimension_numbers = #tpu.dot_dimension_numbers<[1], [0], [0], [1], [0, 0, 1, 1], [], []>, transpose_lhs_hint = false} : vector<96x96xbf16>, vector<96x128xbf16>, vector<96x128xf32> -> vector<96x128xf32>
    %slice3A_1234 = vector.extract_strided_slice %dot_general3A_1233 {offsets = [0, 0], sizes = [48, 64], strides = [1, 1]} : vector<96x128xf32> to vector<48x64xf32>
    %slice3A_1235 = vector.extract_strided_slice %dot_general3A_1233 {offsets = [48, 0], sizes = [48, 64], strides = [1, 1]} : vector<96x128xf32> to vector<48x64xf32>
    %concatenate3A_1236 = tpu.concatenate %slice3A_1234, %slice3A_1235 in 1 : vector<48x64xf32>, vector<48x64xf32> -> vector<48x128xf32>
    %slice3A_1237 = vector.extract_strided_slice %dot_general3A_1233 {offsets = [0, 64], sizes = [48, 64], strides = [1, 1]} : vector<96x128xf32> to vector<48x64xf32>
    %slice3A_1238 = vector.extract_strided_slice %dot_general3A_1233 {offsets = [48, 64], sizes = [48, 64], strides = [1, 1]} : vector<96x128xf32> to vector<48x64xf32>
    %concatenate3A_1239 = tpu.concatenate %slice3A_1237, %slice3A_1238 in 1 : vector<48x64xf32>, vector<48x64xf32> -> vector<48x128xf32>
    %add3A_1240 = vector.broadcast %get3A_16 : vector<1x128xf32> to vector<48x128xf32>
    %add3A_1241 = arith.addf %concatenate3A_1236, %add3A_1240 : vector<48x128xf32>
    %add3A_1242 = vector.broadcast %get3A_16 : vector<1x128xf32> to vector<48x128xf32>
    %add3A_1243 = arith.addf %concatenate3A_1239, %add3A_1242 : vector<48x128xf32>
    %slice3A_1244 = vector.extract_strided_slice %convert_element_type3A_1108 {offsets = [1728, 0], sizes = [96, 64], strides = [1, 1]} : vector<6144x64xbf16> to vector<96x64xbf16>
    %slice3A_1245 = vector.extract_strided_slice %convert_element_type3A_1108 {offsets = [1824, 0], sizes = [96, 64], strides = [1, 1]} : vector<6144x64xbf16> to vector<96x64xbf16>
    %concatenate3A_1246 = tpu.concatenate %slice3A_1244, %slice3A_1245 in 1 : vector<96x64xbf16>, vector<96x64xbf16> -> vector<96x128xbf16>
    %dot_general3A_1247 = arith.constant dense<0.000000e+00> : vector<96x128xf32>
    %dot_general3A_1248 = tpu.matmul %get3A_4, %concatenate3A_1246, %dot_general3A_1247 {dimension_numbers = #tpu.dot_dimension_numbers<[1], [0], [0], [1], [0, 0, 1, 1], [], []>, transpose_lhs_hint = false} : vector<96x96xbf16>, vector<96x128xbf16>, vector<96x128xf32> -> vector<96x128xf32>
    %slice3A_1249 = vector.extract_strided_slice %dot_general3A_1248 {offsets = [0, 0], sizes = [48, 64], strides = [1, 1]} : vector<96x128xf32> to vector<48x64xf32>
    %slice3A_1250 = vector.extract_strided_slice %dot_general3A_1248 {offsets = [48, 0], sizes = [48, 64], strides = [1, 1]} : vector<96x128xf32> to vector<48x64xf32>
    %concatenate3A_1251 = tpu.concatenate %slice3A_1249, %slice3A_1250 in 1 : vector<48x64xf32>, vector<48x64xf32> -> vector<48x128xf32>
    %slice3A_1252 = vector.extract_strided_slice %dot_general3A_1248 {offsets = [0, 64], sizes = [48, 64], strides = [1, 1]} : vector<96x128xf32> to vector<48x64xf32>
    %slice3A_1253 = vector.extract_strided_slice %dot_general3A_1248 {offsets = [48, 64], sizes = [48, 64], strides = [1, 1]} : vector<96x128xf32> to vector<48x64xf32>
    %concatenate3A_1254 = tpu.concatenate %slice3A_1252, %slice3A_1253 in 1 : vector<48x64xf32>, vector<48x64xf32> -> vector<48x128xf32>
    %add3A_1255 = vector.broadcast %get3A_16 : vector<1x128xf32> to vector<48x128xf32>
    %add3A_1256 = arith.addf %concatenate3A_1251, %add3A_1255 : vector<48x128xf32>
    %add3A_1257 = vector.broadcast %get3A_16 : vector<1x128xf32> to vector<48x128xf32>
    %add3A_1258 = arith.addf %concatenate3A_1254, %add3A_1257 : vector<48x128xf32>
    %slice3A_1259 = vector.extract_strided_slice %convert_element_type3A_1108 {offsets = [1920, 0], sizes = [96, 64], strides = [1, 1]} : vector<6144x64xbf16> to vector<96x64xbf16>
    %slice3A_1260 = vector.extract_strided_slice %convert_element_type3A_1108 {offsets = [2016, 0], sizes = [96, 64], strides = [1, 1]} : vector<6144x64xbf16> to vector<96x64xbf16>
    %concatenate3A_1261 = tpu.concatenate %slice3A_1259, %slice3A_1260 in 1 : vector<96x64xbf16>, vector<96x64xbf16> -> vector<96x128xbf16>
    %dot_general3A_1262 = arith.constant dense<0.000000e+00> : vector<96x128xf32>
    %dot_general3A_1263 = tpu.matmul %get3A_4, %concatenate3A_1261, %dot_general3A_1262 {dimension_numbers = #tpu.dot_dimension_numbers<[1], [0], [0], [1], [0, 0, 1, 1], [], []>, transpose_lhs_hint = false} : vector<96x96xbf16>, vector<96x128xbf16>, vector<96x128xf32> -> vector<96x128xf32>
    %slice3A_1264 = vector.extract_strided_slice %dot_general3A_1263 {offsets = [0, 0], sizes = [48, 64], strides = [1, 1]} : vector<96x128xf32> to vector<48x64xf32>
    %slice3A_1265 = vector.extract_strided_slice %dot_general3A_1263 {offsets = [48, 0], sizes = [48, 64], strides = [1, 1]} : vector<96x128xf32> to vector<48x64xf32>
    %concatenate3A_1266 = tpu.concatenate %slice3A_1264, %slice3A_1265 in 1 : vector<48x64xf32>, vector<48x64xf32> -> vector<48x128xf32>
    %slice3A_1267 = vector.extract_strided_slice %dot_general3A_1263 {offsets = [0, 64], sizes = [48, 64], strides = [1, 1]} : vector<96x128xf32> to vector<48x64xf32>
    %slice3A_1268 = vector.extract_strided_slice %dot_general3A_1263 {offsets = [48, 64], sizes = [48, 64], strides = [1, 1]} : vector<96x128xf32> to vector<48x64xf32>
    %concatenate3A_1269 = tpu.concatenate %slice3A_1267, %slice3A_1268 in 1 : vector<48x64xf32>, vector<48x64xf32> -> vector<48x128xf32>
    %add3A_1270 = vector.broadcast %get3A_16 : vector<1x128xf32> to vector<48x128xf32>
    %add3A_1271 = arith.addf %concatenate3A_1266, %add3A_1270 : vector<48x128xf32>
    %add3A_1272 = vector.broadcast %get3A_16 : vector<1x128xf32> to vector<48x128xf32>
    %add3A_1273 = arith.addf %concatenate3A_1269, %add3A_1272 : vector<48x128xf32>
    %slice3A_1274 = vector.extract_strided_slice %convert_element_type3A_1108 {offsets = [2112, 0], sizes = [96, 64], strides = [1, 1]} : vector<6144x64xbf16> to vector<96x64xbf16>
    %slice3A_1275 = vector.extract_strided_slice %convert_element_type3A_1108 {offsets = [2208, 0], sizes = [96, 64], strides = [1, 1]} : vector<6144x64xbf16> to vector<96x64xbf16>
    %concatenate3A_1276 = tpu.concatenate %slice3A_1274, %slice3A_1275 in 1 : vector<96x64xbf16>, vector<96x64xbf16> -> vector<96x128xbf16>
    %dot_general3A_1277 = arith.constant dense<0.000000e+00> : vector<96x128xf32>
    %dot_general3A_1278 = tpu.matmul %get3A_4, %concatenate3A_1276, %dot_general3A_1277 {dimension_numbers = #tpu.dot_dimension_numbers<[1], [0], [0], [1], [0, 0, 1, 1], [], []>, transpose_lhs_hint = false} : vector<96x96xbf16>, vector<96x128xbf16>, vector<96x128xf32> -> vector<96x128xf32>
    %slice3A_1279 = vector.extract_strided_slice %dot_general3A_1278 {offsets = [0, 0], sizes = [48, 64], strides = [1, 1]} : vector<96x128xf32> to vector<48x64xf32>
    %slice3A_1280 = vector.extract_strided_slice %dot_general3A_1278 {offsets = [48, 0], sizes = [48, 64], strides = [1, 1]} : vector<96x128xf32> to vector<48x64xf32>
    %concatenate3A_1281 = tpu.concatenate %slice3A_1279, %slice3A_1280 in 1 : vector<48x64xf32>, vector<48x64xf32> -> vector<48x128xf32>
    %slice3A_1282 = vector.extract_strided_slice %dot_general3A_1278 {offsets = [0, 64], sizes = [48, 64], strides = [1, 1]} : vector<96x128xf32> to vector<48x64xf32>
    %slice3A_1283 = vector.extract_strided_slice %dot_general3A_1278 {offsets = [48, 64], sizes = [48, 64], strides = [1, 1]} : vector<96x128xf32> to vector<48x64xf32>
    %concatenate3A_1284 = tpu.concatenate %slice3A_1282, %slice3A_1283 in 1 : vector<48x64xf32>, vector<48x64xf32> -> vector<48x128xf32>
    %add3A_1285 = vector.broadcast %get3A_16 : vector<1x128xf32> to vector<48x128xf32>
    %add3A_1286 = arith.addf %concatenate3A_1281, %add3A_1285 : vector<48x128xf32>
    %add3A_1287 = vector.broadcast %get3A_16 : vector<1x128xf32> to vector<48x128xf32>
    %add3A_1288 = arith.addf %concatenate3A_1284, %add3A_1287 : vector<48x128xf32>
    %slice3A_1289 = vector.extract_strided_slice %convert_element_type3A_1108 {offsets = [2304, 0], sizes = [96, 64], strides = [1, 1]} : vector<6144x64xbf16> to vector<96x64xbf16>
    %slice3A_1290 = vector.extract_strided_slice %convert_element_type3A_1108 {offsets = [2400, 0], sizes = [96, 64], strides = [1, 1]} : vector<6144x64xbf16> to vector<96x64xbf16>
    %concatenate3A_1291 = tpu.concatenate %slice3A_1289, %slice3A_1290 in 1 : vector<96x64xbf16>, vector<96x64xbf16> -> vector<96x128xbf16>
    %dot_general3A_1292 = arith.constant dense<0.000000e+00> : vector<96x128xf32>
    %dot_general3A_1293 = tpu.matmul %get3A_4, %concatenate3A_1291, %dot_general3A_1292 {dimension_numbers = #tpu.dot_dimension_numbers<[1], [0], [0], [1], [0, 0, 1, 1], [], []>, transpose_lhs_hint = false} : vector<96x96xbf16>, vector<96x128xbf16>, vector<96x128xf32> -> vector<96x128xf32>
    %slice3A_1294 = vector.extract_strided_slice %dot_general3A_1293 {offsets = [0, 0], sizes = [48, 64], strides = [1, 1]} : vector<96x128xf32> to vector<48x64xf32>
    %slice3A_1295 = vector.extract_strided_slice %dot_general3A_1293 {offsets = [48, 0], sizes = [48, 64], strides = [1, 1]} : vector<96x128xf32> to vector<48x64xf32>
    %concatenate3A_1296 = tpu.concatenate %slice3A_1294, %slice3A_1295 in 1 : vector<48x64xf32>, vector<48x64xf32> -> vector<48x128xf32>
    %slice3A_1297 = vector.extract_strided_slice %dot_general3A_1293 {offsets = [0, 64], sizes = [48, 64], strides = [1, 1]} : vector<96x128xf32> to vector<48x64xf32>
    %slice3A_1298 = vector.extract_strided_slice %dot_general3A_1293 {offsets = [48, 64], sizes = [48, 64], strides = [1, 1]} : vector<96x128xf32> to vector<48x64xf32>
    %concatenate3A_1299 = tpu.concatenate %slice3A_1297, %slice3A_1298 in 1 : vector<48x64xf32>, vector<48x64xf32> -> vector<48x128xf32>
    %add3A_1300 = vector.broadcast %get3A_16 : vector<1x128xf32> to vector<48x128xf32>
    %add3A_1301 = arith.addf %concatenate3A_1296, %add3A_1300 : vector<48x128xf32>
    %add3A_1302 = vector.broadcast %get3A_16 : vector<1x128xf32> to vector<48x128xf32>
    %add3A_1303 = arith.addf %concatenate3A_1299, %add3A_1302 : vector<48x128xf32>
    %slice3A_1304 = vector.extract_strided_slice %convert_element_type3A_1108 {offsets = [2496, 0], sizes = [96, 64], strides = [1, 1]} : vector<6144x64xbf16> to vector<96x64xbf16>
    %slice3A_1305 = vector.extract_strided_slice %convert_element_type3A_1108 {offsets = [2592, 0], sizes = [96, 64], strides = [1, 1]} : vector<6144x64xbf16> to vector<96x64xbf16>
    %concatenate3A_1306 = tpu.concatenate %slice3A_1304, %slice3A_1305 in 1 : vector<96x64xbf16>, vector<96x64xbf16> -> vector<96x128xbf16>
    %dot_general3A_1307 = arith.constant dense<0.000000e+00> : vector<96x128xf32>
    %dot_general3A_1308 = tpu.matmul %get3A_4, %concatenate3A_1306, %dot_general3A_1307 {dimension_numbers = #tpu.dot_dimension_numbers<[1], [0], [0], [1], [0, 0, 1, 1], [], []>, transpose_lhs_hint = false} : vector<96x96xbf16>, vector<96x128xbf16>, vector<96x128xf32> -> vector<96x128xf32>
    %slice3A_1309 = vector.extract_strided_slice %dot_general3A_1308 {offsets = [0, 0], sizes = [48, 64], strides = [1, 1]} : vector<96x128xf32> to vector<48x64xf32>
    %slice3A_1310 = vector.extract_strided_slice %dot_general3A_1308 {offsets = [48, 0], sizes = [48, 64], strides = [1, 1]} : vector<96x128xf32> to vector<48x64xf32>
    %concatenate3A_1311 = tpu.concatenate %slice3A_1309, %slice3A_1310 in 1 : vector<48x64xf32>, vector<48x64xf32> -> vector<48x128xf32>
    %slice3A_1312 = vector.extract_strided_slice %dot_general3A_1308 {offsets = [0, 64], sizes = [48, 64], strides = [1, 1]} : vector<96x128xf32> to vector<48x64xf32>
    %slice3A_1313 = vector.extract_strided_slice %dot_general3A_1308 {offsets = [48, 64], sizes = [48, 64], strides = [1, 1]} : vector<96x128xf32> to vector<48x64xf32>
    %concatenate3A_1314 = tpu.concatenate %slice3A_1312, %slice3A_1313 in 1 : vector<48x64xf32>, vector<48x64xf32> -> vector<48x128xf32>
    %add3A_1315 = vector.broadcast %get3A_16 : vector<1x128xf32> to vector<48x128xf32>
    %add3A_1316 = arith.addf %concatenate3A_1311, %add3A_1315 : vector<48x128xf32>
    %add3A_1317 = vector.broadcast %get3A_16 : vector<1x128xf32> to vector<48x128xf32>
    %add3A_1318 = arith.addf %concatenate3A_1314, %add3A_1317 : vector<48x128xf32>
    %slice3A_1319 = vector.extract_strided_slice %convert_element_type3A_1108 {offsets = [2688, 0], sizes = [96, 64], strides = [1, 1]} : vector<6144x64xbf16> to vector<96x64xbf16>
    %slice3A_1320 = vector.extract_strided_slice %convert_element_type3A_1108 {offsets = [2784, 0], sizes = [96, 64], strides = [1, 1]} : vector<6144x64xbf16> to vector<96x64xbf16>
    %concatenate3A_1321 = tpu.concatenate %slice3A_1319, %slice3A_1320 in 1 : vector<96x64xbf16>, vector<96x64xbf16> -> vector<96x128xbf16>
    %dot_general3A_1322 = arith.constant dense<0.000000e+00> : vector<96x128xf32>
    %dot_general3A_1323 = tpu.matmul %get3A_4, %concatenate3A_1321, %dot_general3A_1322 {dimension_numbers = #tpu.dot_dimension_numbers<[1], [0], [0], [1], [0, 0, 1, 1], [], []>, transpose_lhs_hint = false} : vector<96x96xbf16>, vector<96x128xbf16>, vector<96x128xf32> -> vector<96x128xf32>
    %slice3A_1324 = vector.extract_strided_slice %dot_general3A_1323 {offsets = [0, 0], sizes = [48, 64], strides = [1, 1]} : vector<96x128xf32> to vector<48x64xf32>
    %slice3A_1325 = vector.extract_strided_slice %dot_general3A_1323 {offsets = [48, 0], sizes = [48, 64], strides = [1, 1]} : vector<96x128xf32> to vector<48x64xf32>
    %concatenate3A_1326 = tpu.concatenate %slice3A_1324, %slice3A_1325 in 1 : vector<48x64xf32>, vector<48x64xf32> -> vector<48x128xf32>
    %slice3A_1327 = vector.extract_strided_slice %dot_general3A_1323 {offsets = [0, 64], sizes = [48, 64], strides = [1, 1]} : vector<96x128xf32> to vector<48x64xf32>
    %slice3A_1328 = vector.extract_strided_slice %dot_general3A_1323 {offsets = [48, 64], sizes = [48, 64], strides = [1, 1]} : vector<96x128xf32> to vector<48x64xf32>
    %concatenate3A_1329 = tpu.concatenate %slice3A_1327, %slice3A_1328 in 1 : vector<48x64xf32>, vector<48x64xf32> -> vector<48x128xf32>
    %add3A_1330 = vector.broadcast %get3A_16 : vector<1x128xf32> to vector<48x128xf32>
    %add3A_1331 = arith.addf %concatenate3A_1326, %add3A_1330 : vector<48x128xf32>
    %add3A_1332 = vector.broadcast %get3A_16 : vector<1x128xf32> to vector<48x128xf32>
    %add3A_1333 = arith.addf %concatenate3A_1329, %add3A_1332 : vector<48x128xf32>
    %slice3A_1334 = vector.extract_strided_slice %convert_element_type3A_1108 {offsets = [2880, 0], sizes = [96, 64], strides = [1, 1]} : vector<6144x64xbf16> to vector<96x64xbf16>
    %slice3A_1335 = vector.extract_strided_slice %convert_element_type3A_1108 {offsets = [2976, 0], sizes = [96, 64], strides = [1, 1]} : vector<6144x64xbf16> to vector<96x64xbf16>
    %concatenate3A_1336 = tpu.concatenate %slice3A_1334, %slice3A_1335 in 1 : vector<96x64xbf16>, vector<96x64xbf16> -> vector<96x128xbf16>
    %dot_general3A_1337 = arith.constant dense<0.000000e+00> : vector<96x128xf32>
    %dot_general3A_1338 = tpu.matmul %get3A_4, %concatenate3A_1336, %dot_general3A_1337 {dimension_numbers = #tpu.dot_dimension_numbers<[1], [0], [0], [1], [0, 0, 1, 1], [], []>, transpose_lhs_hint = false} : vector<96x96xbf16>, vector<96x128xbf16>, vector<96x128xf32> -> vector<96x128xf32>
    %slice3A_1339 = vector.extract_strided_slice %dot_general3A_1338 {offsets = [0, 0], sizes = [48, 64], strides = [1, 1]} : vector<96x128xf32> to vector<48x64xf32>
    %slice3A_1340 = vector.extract_strided_slice %dot_general3A_1338 {offsets = [48, 0], sizes = [48, 64], strides = [1, 1]} : vector<96x128xf32> to vector<48x64xf32>
    %concatenate3A_1341 = tpu.concatenate %slice3A_1339, %slice3A_1340 in 1 : vector<48x64xf32>, vector<48x64xf32> -> vector<48x128xf32>
    %slice3A_1342 = vector.extract_strided_slice %dot_general3A_1338 {offsets = [0, 64], sizes = [48, 64], strides = [1, 1]} : vector<96x128xf32> to vector<48x64xf32>
    %slice3A_1343 = vector.extract_strided_slice %dot_general3A_1338 {offsets = [48, 64], sizes = [48, 64], strides = [1, 1]} : vector<96x128xf32> to vector<48x64xf32>
    %concatenate3A_1344 = tpu.concatenate %slice3A_1342, %slice3A_1343 in 1 : vector<48x64xf32>, vector<48x64xf32> -> vector<48x128xf32>
    %add3A_1345 = vector.broadcast %get3A_16 : vector<1x128xf32> to vector<48x128xf32>
    %add3A_1346 = arith.addf %concatenate3A_1341, %add3A_1345 : vector<48x128xf32>
    %add3A_1347 = vector.broadcast %get3A_16 : vector<1x128xf32> to vector<48x128xf32>
    %add3A_1348 = arith.addf %concatenate3A_1344, %add3A_1347 : vector<48x128xf32>
    %slice3A_1349 = vector.extract_strided_slice %convert_element_type3A_1108 {offsets = [3072, 0], sizes = [96, 64], strides = [1, 1]} : vector<6144x64xbf16> to vector<96x64xbf16>
    %slice3A_1350 = vector.extract_strided_slice %convert_element_type3A_1108 {offsets = [3168, 0], sizes = [96, 64], strides = [1, 1]} : vector<6144x64xbf16> to vector<96x64xbf16>
    %concatenate3A_1351 = tpu.concatenate %slice3A_1349, %slice3A_1350 in 1 : vector<96x64xbf16>, vector<96x64xbf16> -> vector<96x128xbf16>
    %dot_general3A_1352 = arith.constant dense<0.000000e+00> : vector<96x128xf32>
    %dot_general3A_1353 = tpu.matmul %get3A_4, %concatenate3A_1351, %dot_general3A_1352 {dimension_numbers = #tpu.dot_dimension_numbers<[1], [0], [0], [1], [0, 0, 1, 1], [], []>, transpose_lhs_hint = false} : vector<96x96xbf16>, vector<96x128xbf16>, vector<96x128xf32> -> vector<96x128xf32>
    %slice3A_1354 = vector.extract_strided_slice %dot_general3A_1353 {offsets = [0, 0], sizes = [48, 64], strides = [1, 1]} : vector<96x128xf32> to vector<48x64xf32>
    %slice3A_1355 = vector.extract_strided_slice %dot_general3A_1353 {offsets = [48, 0], sizes = [48, 64], strides = [1, 1]} : vector<96x128xf32> to vector<48x64xf32>
    %concatenate3A_1356 = tpu.concatenate %slice3A_1354, %slice3A_1355 in 1 : vector<48x64xf32>, vector<48x64xf32> -> vector<48x128xf32>
    %slice3A_1357 = vector.extract_strided_slice %dot_general3A_1353 {offsets = [0, 64], sizes = [48, 64], strides = [1, 1]} : vector<96x128xf32> to vector<48x64xf32>
    %slice3A_1358 = vector.extract_strided_slice %dot_general3A_1353 {offsets = [48, 64], sizes = [48, 64], strides = [1, 1]} : vector<96x128xf32> to vector<48x64xf32>
    %concatenate3A_1359 = tpu.concatenate %slice3A_1357, %slice3A_1358 in 1 : vector<48x64xf32>, vector<48x64xf32> -> vector<48x128xf32>
    %add3A_1360 = vector.broadcast %get3A_16 : vector<1x128xf32> to vector<48x128xf32>
    %add3A_1361 = arith.addf %concatenate3A_1356, %add3A_1360 : vector<48x128xf32>
    %add3A_1362 = vector.broadcast %get3A_16 : vector<1x128xf32> to vector<48x128xf32>
    %add3A_1363 = arith.addf %concatenate3A_1359, %add3A_1362 : vector<48x128xf32>
    %slice3A_1364 = vector.extract_strided_slice %convert_element_type3A_1108 {offsets = [3264, 0], sizes = [96, 64], strides = [1, 1]} : vector<6144x64xbf16> to vector<96x64xbf16>
    %slice3A_1365 = vector.extract_strided_slice %convert_element_type3A_1108 {offsets = [3360, 0], sizes = [96, 64], strides = [1, 1]} : vector<6144x64xbf16> to vector<96x64xbf16>
    %concatenate3A_1366 = tpu.concatenate %slice3A_1364, %slice3A_1365 in 1 : vector<96x64xbf16>, vector<96x64xbf16> -> vector<96x128xbf16>
    %dot_general3A_1367 = arith.constant dense<0.000000e+00> : vector<96x128xf32>
    %dot_general3A_1368 = tpu.matmul %get3A_4, %concatenate3A_1366, %dot_general3A_1367 {dimension_numbers = #tpu.dot_dimension_numbers<[1], [0], [0], [1], [0, 0, 1, 1], [], []>, transpose_lhs_hint = false} : vector<96x96xbf16>, vector<96x128xbf16>, vector<96x128xf32> -> vector<96x128xf32>
    %slice3A_1369 = vector.extract_strided_slice %dot_general3A_1368 {offsets = [0, 0], sizes = [48, 64], strides = [1, 1]} : vector<96x128xf32> to vector<48x64xf32>
    %slice3A_1370 = vector.extract_strided_slice %dot_general3A_1368 {offsets = [48, 0], sizes = [48, 64], strides = [1, 1]} : vector<96x128xf32> to vector<48x64xf32>
    %concatenate3A_1371 = tpu.concatenate %slice3A_1369, %slice3A_1370 in 1 : vector<48x64xf32>, vector<48x64xf32> -> vector<48x128xf32>
    %slice3A_1372 = vector.extract_strided_slice %dot_general3A_1368 {offsets = [0, 64], sizes = [48, 64], strides = [1, 1]} : vector<96x128xf32> to vector<48x64xf32>
    %slice3A_1373 = vector.extract_strided_slice %dot_general3A_1368 {offsets = [48, 64], sizes = [48, 64], strides = [1, 1]} : vector<96x128xf32> to vector<48x64xf32>
    %concatenate3A_1374 = tpu.concatenate %slice3A_1372, %slice3A_1373 in 1 : vector<48x64xf32>, vector<48x64xf32> -> vector<48x128xf32>
    %add3A_1375 = vector.broadcast %get3A_16 : vector<1x128xf32> to vector<48x128xf32>
    %add3A_1376 = arith.addf %concatenate3A_1371, %add3A_1375 : vector<48x128xf32>
    %add3A_1377 = vector.broadcast %get3A_16 : vector<1x128xf32> to vector<48x128xf32>
    %add3A_1378 = arith.addf %concatenate3A_1374, %add3A_1377 : vector<48x128xf32>
    %slice3A_1379 = vector.extract_strided_slice %convert_element_type3A_1108 {offsets = [3456, 0], sizes = [96, 64], strides = [1, 1]} : vector<6144x64xbf16> to vector<96x64xbf16>
    %slice3A_1380 = vector.extract_strided_slice %convert_element_type3A_1108 {offsets = [3552, 0], sizes = [96, 64], strides = [1, 1]} : vector<6144x64xbf16> to vector<96x64xbf16>
    %concatenate3A_1381 = tpu.concatenate %slice3A_1379, %slice3A_1380 in 1 : vector<96x64xbf16>, vector<96x64xbf16> -> vector<96x128xbf16>
    %dot_general3A_1382 = arith.constant dense<0.000000e+00> : vector<96x128xf32>
    %dot_general3A_1383 = tpu.matmul %get3A_4, %concatenate3A_1381, %dot_general3A_1382 {dimension_numbers = #tpu.dot_dimension_numbers<[1], [0], [0], [1], [0, 0, 1, 1], [], []>, transpose_lhs_hint = false} : vector<96x96xbf16>, vector<96x128xbf16>, vector<96x128xf32> -> vector<96x128xf32>
    %slice3A_1384 = vector.extract_strided_slice %dot_general3A_1383 {offsets = [0, 0], sizes = [48, 64], strides = [1, 1]} : vector<96x128xf32> to vector<48x64xf32>
    %slice3A_1385 = vector.extract_strided_slice %dot_general3A_1383 {offsets = [48, 0], sizes = [48, 64], strides = [1, 1]} : vector<96x128xf32> to vector<48x64xf32>
    %concatenate3A_1386 = tpu.concatenate %slice3A_1384, %slice3A_1385 in 1 : vector<48x64xf32>, vector<48x64xf32> -> vector<48x128xf32>
    %slice3A_1387 = vector.extract_strided_slice %dot_general3A_1383 {offsets = [0, 64], sizes = [48, 64], strides = [1, 1]} : vector<96x128xf32> to vector<48x64xf32>
    %slice3A_1388 = vector.extract_strided_slice %dot_general3A_1383 {offsets = [48, 64], sizes = [48, 64], strides = [1, 1]} : vector<96x128xf32> to vector<48x64xf32>
    %concatenate3A_1389 = tpu.concatenate %slice3A_1387, %slice3A_1388 in 1 : vector<48x64xf32>, vector<48x64xf32> -> vector<48x128xf32>
    %add3A_1390 = vector.broadcast %get3A_16 : vector<1x128xf32> to vector<48x128xf32>
    %add3A_1391 = arith.addf %concatenate3A_1386, %add3A_1390 : vector<48x128xf32>
    %add3A_1392 = vector.broadcast %get3A_16 : vector<1x128xf32> to vector<48x128xf32>
    %add3A_1393 = arith.addf %concatenate3A_1389, %add3A_1392 : vector<48x128xf32>
    %slice3A_1394 = vector.extract_strided_slice %convert_element_type3A_1108 {offsets = [3648, 0], sizes = [96, 64], strides = [1, 1]} : vector<6144x64xbf16> to vector<96x64xbf16>
    %slice3A_1395 = vector.extract_strided_slice %convert_element_type3A_1108 {offsets = [3744, 0], sizes = [96, 64], strides = [1, 1]} : vector<6144x64xbf16> to vector<96x64xbf16>
    %concatenate3A_1396 = tpu.concatenate %slice3A_1394, %slice3A_1395 in 1 : vector<96x64xbf16>, vector<96x64xbf16> -> vector<96x128xbf16>
    %dot_general3A_1397 = arith.constant dense<0.000000e+00> : vector<96x128xf32>
    %dot_general3A_1398 = tpu.matmul %get3A_4, %concatenate3A_1396, %dot_general3A_1397 {dimension_numbers = #tpu.dot_dimension_numbers<[1], [0], [0], [1], [0, 0, 1, 1], [], []>, transpose_lhs_hint = false} : vector<96x96xbf16>, vector<96x128xbf16>, vector<96x128xf32> -> vector<96x128xf32>
    %slice3A_1399 = vector.extract_strided_slice %dot_general3A_1398 {offsets = [0, 0], sizes = [48, 64], strides = [1, 1]} : vector<96x128xf32> to vector<48x64xf32>
    %slice3A_1400 = vector.extract_strided_slice %dot_general3A_1398 {offsets = [48, 0], sizes = [48, 64], strides = [1, 1]} : vector<96x128xf32> to vector<48x64xf32>
    %concatenate3A_1401 = tpu.concatenate %slice3A_1399, %slice3A_1400 in 1 : vector<48x64xf32>, vector<48x64xf32> -> vector<48x128xf32>
    %slice3A_1402 = vector.extract_strided_slice %dot_general3A_1398 {offsets = [0, 64], sizes = [48, 64], strides = [1, 1]} : vector<96x128xf32> to vector<48x64xf32>
    %slice3A_1403 = vector.extract_strided_slice %dot_general3A_1398 {offsets = [48, 64], sizes = [48, 64], strides = [1, 1]} : vector<96x128xf32> to vector<48x64xf32>
    %concatenate3A_1404 = tpu.concatenate %slice3A_1402, %slice3A_1403 in 1 : vector<48x64xf32>, vector<48x64xf32> -> vector<48x128xf32>
    %add3A_1405 = vector.broadcast %get3A_16 : vector<1x128xf32> to vector<48x128xf32>
    %add3A_1406 = arith.addf %concatenate3A_1401, %add3A_1405 : vector<48x128xf32>
    %add3A_1407 = vector.broadcast %get3A_16 : vector<1x128xf32> to vector<48x128xf32>
    %add3A_1408 = arith.addf %concatenate3A_1404, %add3A_1407 : vector<48x128xf32>
    %slice3A_1409 = vector.extract_strided_slice %convert_element_type3A_1108 {offsets = [3840, 0], sizes = [96, 64], strides = [1, 1]} : vector<6144x64xbf16> to vector<96x64xbf16>
    %slice3A_1410 = vector.extract_strided_slice %convert_element_type3A_1108 {offsets = [3936, 0], sizes = [96, 64], strides = [1, 1]} : vector<6144x64xbf16> to vector<96x64xbf16>
    %concatenate3A_1411 = tpu.concatenate %slice3A_1409, %slice3A_1410 in 1 : vector<96x64xbf16>, vector<96x64xbf16> -> vector<96x128xbf16>
    %dot_general3A_1412 = arith.constant dense<0.000000e+00> : vector<96x128xf32>
    %dot_general3A_1413 = tpu.matmul %get3A_4, %concatenate3A_1411, %dot_general3A_1412 {dimension_numbers = #tpu.dot_dimension_numbers<[1], [0], [0], [1], [0, 0, 1, 1], [], []>, transpose_lhs_hint = false} : vector<96x96xbf16>, vector<96x128xbf16>, vector<96x128xf32> -> vector<96x128xf32>
    %slice3A_1414 = vector.extract_strided_slice %dot_general3A_1413 {offsets = [0, 0], sizes = [48, 64], strides = [1, 1]} : vector<96x128xf32> to vector<48x64xf32>
    %slice3A_1415 = vector.extract_strided_slice %dot_general3A_1413 {offsets = [48, 0], sizes = [48, 64], strides = [1, 1]} : vector<96x128xf32> to vector<48x64xf32>
    %concatenate3A_1416 = tpu.concatenate %slice3A_1414, %slice3A_1415 in 1 : vector<48x64xf32>, vector<48x64xf32> -> vector<48x128xf32>
    %slice3A_1417 = vector.extract_strided_slice %dot_general3A_1413 {offsets = [0, 64], sizes = [48, 64], strides = [1, 1]} : vector<96x128xf32> to vector<48x64xf32>
    %slice3A_1418 = vector.extract_strided_slice %dot_general3A_1413 {offsets = [48, 64], sizes = [48, 64], strides = [1, 1]} : vector<96x128xf32> to vector<48x64xf32>
    %concatenate3A_1419 = tpu.concatenate %slice3A_1417, %slice3A_1418 in 1 : vector<48x64xf32>, vector<48x64xf32> -> vector<48x128xf32>
    %add3A_1420 = vector.broadcast %get3A_16 : vector<1x128xf32> to vector<48x128xf32>
    %add3A_1421 = arith.addf %concatenate3A_1416, %add3A_1420 : vector<48x128xf32>
    %add3A_1422 = vector.broadcast %get3A_16 : vector<1x128xf32> to vector<48x128xf32>
    %add3A_1423 = arith.addf %concatenate3A_1419, %add3A_1422 : vector<48x128xf32>
    %slice3A_1424 = vector.extract_strided_slice %convert_element_type3A_1108 {offsets = [4032, 0], sizes = [96, 64], strides = [1, 1]} : vector<6144x64xbf16> to vector<96x64xbf16>
    %slice3A_1425 = vector.extract_strided_slice %convert_element_type3A_1108 {offsets = [4128, 0], sizes = [96, 64], strides = [1, 1]} : vector<6144x64xbf16> to vector<96x64xbf16>
    %concatenate3A_1426 = tpu.concatenate %slice3A_1424, %slice3A_1425 in 1 : vector<96x64xbf16>, vector<96x64xbf16> -> vector<96x128xbf16>
    %dot_general3A_1427 = arith.constant dense<0.000000e+00> : vector<96x128xf32>
    %dot_general3A_1428 = tpu.matmul %get3A_4, %concatenate3A_1426, %dot_general3A_1427 {dimension_numbers = #tpu.dot_dimension_numbers<[1], [0], [0], [1], [0, 0, 1, 1], [], []>, transpose_lhs_hint = false} : vector<96x96xbf16>, vector<96x128xbf16>, vector<96x128xf32> -> vector<96x128xf32>
    %slice3A_1429 = vector.extract_strided_slice %dot_general3A_1428 {offsets = [0, 0], sizes = [48, 64], strides = [1, 1]} : vector<96x128xf32> to vector<48x64xf32>
    %slice3A_1430 = vector.extract_strided_slice %dot_general3A_1428 {offsets = [48, 0], sizes = [48, 64], strides = [1, 1]} : vector<96x128xf32> to vector<48x64xf32>
    %concatenate3A_1431 = tpu.concatenate %slice3A_1429, %slice3A_1430 in 1 : vector<48x64xf32>, vector<48x64xf32> -> vector<48x128xf32>
    %slice3A_1432 = vector.extract_strided_slice %dot_general3A_1428 {offsets = [0, 64], sizes = [48, 64], strides = [1, 1]} : vector<96x128xf32> to vector<48x64xf32>
    %slice3A_1433 = vector.extract_strided_slice %dot_general3A_1428 {offsets = [48, 64], sizes = [48, 64], strides = [1, 1]} : vector<96x128xf32> to vector<48x64xf32>
    %concatenate3A_1434 = tpu.concatenate %slice3A_1432, %slice3A_1433 in 1 : vector<48x64xf32>, vector<48x64xf32> -> vector<48x128xf32>
    %add3A_1435 = vector.broadcast %get3A_16 : vector<1x128xf32> to vector<48x128xf32>
    %add3A_1436 = arith.addf %concatenate3A_1431, %add3A_1435 : vector<48x128xf32>
    %add3A_1437 = vector.broadcast %get3A_16 : vector<1x128xf32> to vector<48x128xf32>
    %add3A_1438 = arith.addf %concatenate3A_1434, %add3A_1437 : vector<48x128xf32>
    %slice3A_1439 = vector.extract_strided_slice %convert_element_type3A_1108 {offsets = [4224, 0], sizes = [96, 64], strides = [1, 1]} : vector<6144x64xbf16> to vector<96x64xbf16>
    %slice3A_1440 = vector.extract_strided_slice %convert_element_type3A_1108 {offsets = [4320, 0], sizes = [96, 64], strides = [1, 1]} : vector<6144x64xbf16> to vector<96x64xbf16>
    %concatenate3A_1441 = tpu.concatenate %slice3A_1439, %slice3A_1440 in 1 : vector<96x64xbf16>, vector<96x64xbf16> -> vector<96x128xbf16>
    %dot_general3A_1442 = arith.constant dense<0.000000e+00> : vector<96x128xf32>
    %dot_general3A_1443 = tpu.matmul %get3A_4, %concatenate3A_1441, %dot_general3A_1442 {dimension_numbers = #tpu.dot_dimension_numbers<[1], [0], [0], [1], [0, 0, 1, 1], [], []>, transpose_lhs_hint = false} : vector<96x96xbf16>, vector<96x128xbf16>, vector<96x128xf32> -> vector<96x128xf32>
    %slice3A_1444 = vector.extract_strided_slice %dot_general3A_1443 {offsets = [0, 0], sizes = [48, 64], strides = [1, 1]} : vector<96x128xf32> to vector<48x64xf32>
    %slice3A_1445 = vector.extract_strided_slice %dot_general3A_1443 {offsets = [48, 0], sizes = [48, 64], strides = [1, 1]} : vector<96x128xf32> to vector<48x64xf32>
    %concatenate3A_1446 = tpu.concatenate %slice3A_1444, %slice3A_1445 in 1 : vector<48x64xf32>, vector<48x64xf32> -> vector<48x128xf32>
    %slice3A_1447 = vector.extract_strided_slice %dot_general3A_1443 {offsets = [0, 64], sizes = [48, 64], strides = [1, 1]} : vector<96x128xf32> to vector<48x64xf32>
    %slice3A_1448 = vector.extract_strided_slice %dot_general3A_1443 {offsets = [48, 64], sizes = [48, 64], strides = [1, 1]} : vector<96x128xf32> to vector<48x64xf32>
    %concatenate3A_1449 = tpu.concatenate %slice3A_1447, %slice3A_1448 in 1 : vector<48x64xf32>, vector<48x64xf32> -> vector<48x128xf32>
    %add3A_1450 = vector.broadcast %get3A_16 : vector<1x128xf32> to vector<48x128xf32>
    %add3A_1451 = arith.addf %concatenate3A_1446, %add3A_1450 : vector<48x128xf32>
    %add3A_1452 = vector.broadcast %get3A_16 : vector<1x128xf32> to vector<48x128xf32>
    %add3A_1453 = arith.addf %concatenate3A_1449, %add3A_1452 : vector<48x128xf32>
    %slice3A_1454 = vector.extract_strided_slice %convert_element_type3A_1108 {offsets = [4416, 0], sizes = [96, 64], strides = [1, 1]} : vector<6144x64xbf16> to vector<96x64xbf16>
    %slice3A_1455 = vector.extract_strided_slice %convert_element_type3A_1108 {offsets = [4512, 0], sizes = [96, 64], strides = [1, 1]} : vector<6144x64xbf16> to vector<96x64xbf16>
    %concatenate3A_1456 = tpu.concatenate %slice3A_1454, %slice3A_1455 in 1 : vector<96x64xbf16>, vector<96x64xbf16> -> vector<96x128xbf16>
    %dot_general3A_1457 = arith.constant dense<0.000000e+00> : vector<96x128xf32>
    %dot_general3A_1458 = tpu.matmul %get3A_4, %concatenate3A_1456, %dot_general3A_1457 {dimension_numbers = #tpu.dot_dimension_numbers<[1], [0], [0], [1], [0, 0, 1, 1], [], []>, transpose_lhs_hint = false} : vector<96x96xbf16>, vector<96x128xbf16>, vector<96x128xf32> -> vector<96x128xf32>
    %slice3A_1459 = vector.extract_strided_slice %dot_general3A_1458 {offsets = [0, 0], sizes = [48, 64], strides = [1, 1]} : vector<96x128xf32> to vector<48x64xf32>
    %slice3A_1460 = vector.extract_strided_slice %dot_general3A_1458 {offsets = [48, 0], sizes = [48, 64], strides = [1, 1]} : vector<96x128xf32> to vector<48x64xf32>
    %concatenate3A_1461 = tpu.concatenate %slice3A_1459, %slice3A_1460 in 1 : vector<48x64xf32>, vector<48x64xf32> -> vector<48x128xf32>
    %slice3A_1462 = vector.extract_strided_slice %dot_general3A_1458 {offsets = [0, 64], sizes = [48, 64], strides = [1, 1]} : vector<96x128xf32> to vector<48x64xf32>
    %slice3A_1463 = vector.extract_strided_slice %dot_general3A_1458 {offsets = [48, 64], sizes = [48, 64], strides = [1, 1]} : vector<96x128xf32> to vector<48x64xf32>
    %concatenate3A_1464 = tpu.concatenate %slice3A_1462, %slice3A_1463 in 1 : vector<48x64xf32>, vector<48x64xf32> -> vector<48x128xf32>
    %add3A_1465 = vector.broadcast %get3A_16 : vector<1x128xf32> to vector<48x128xf32>
    %add3A_1466 = arith.addf %concatenate3A_1461, %add3A_1465 : vector<48x128xf32>
    %add3A_1467 = vector.broadcast %get3A_16 : vector<1x128xf32> to vector<48x128xf32>
    %add3A_1468 = arith.addf %concatenate3A_1464, %add3A_1467 : vector<48x128xf32>
    %slice3A_1469 = vector.extract_strided_slice %convert_element_type3A_1108 {offsets = [4608, 0], sizes = [96, 64], strides = [1, 1]} : vector<6144x64xbf16> to vector<96x64xbf16>
    %slice3A_1470 = vector.extract_strided_slice %convert_element_type3A_1108 {offsets = [4704, 0], sizes = [96, 64], strides = [1, 1]} : vector<6144x64xbf16> to vector<96x64xbf16>
    %concatenate3A_1471 = tpu.concatenate %slice3A_1469, %slice3A_1470 in 1 : vector<96x64xbf16>, vector<96x64xbf16> -> vector<96x128xbf16>
    %dot_general3A_1472 = arith.constant dense<0.000000e+00> : vector<96x128xf32>
    %dot_general3A_1473 = tpu.matmul %get3A_4, %concatenate3A_1471, %dot_general3A_1472 {dimension_numbers = #tpu.dot_dimension_numbers<[1], [0], [0], [1], [0, 0, 1, 1], [], []>, transpose_lhs_hint = false} : vector<96x96xbf16>, vector<96x128xbf16>, vector<96x128xf32> -> vector<96x128xf32>
    %slice3A_1474 = vector.extract_strided_slice %dot_general3A_1473 {offsets = [0, 0], sizes = [48, 64], strides = [1, 1]} : vector<96x128xf32> to vector<48x64xf32>
    %slice3A_1475 = vector.extract_strided_slice %dot_general3A_1473 {offsets = [48, 0], sizes = [48, 64], strides = [1, 1]} : vector<96x128xf32> to vector<48x64xf32>
    %concatenate3A_1476 = tpu.concatenate %slice3A_1474, %slice3A_1475 in 1 : vector<48x64xf32>, vector<48x64xf32> -> vector<48x128xf32>
    %slice3A_1477 = vector.extract_strided_slice %dot_general3A_1473 {offsets = [0, 64], sizes = [48, 64], strides = [1, 1]} : vector<96x128xf32> to vector<48x64xf32>
    %slice3A_1478 = vector.extract_strided_slice %dot_general3A_1473 {offsets = [48, 64], sizes = [48, 64], strides = [1, 1]} : vector<96x128xf32> to vector<48x64xf32>
    %concatenate3A_1479 = tpu.concatenate %slice3A_1477, %slice3A_1478 in 1 : vector<48x64xf32>, vector<48x64xf32> -> vector<48x128xf32>
    %add3A_1480 = vector.broadcast %get3A_16 : vector<1x128xf32> to vector<48x128xf32>
    %add3A_1481 = arith.addf %concatenate3A_1476, %add3A_1480 : vector<48x128xf32>
    %add3A_1482 = vector.broadcast %get3A_16 : vector<1x128xf32> to vector<48x128xf32>
    %add3A_1483 = arith.addf %concatenate3A_1479, %add3A_1482 : vector<48x128xf32>
    %slice3A_1484 = vector.extract_strided_slice %convert_element_type3A_1108 {offsets = [4800, 0], sizes = [96, 64], strides = [1, 1]} : vector<6144x64xbf16> to vector<96x64xbf16>
    %slice3A_1485 = vector.extract_strided_slice %convert_element_type3A_1108 {offsets = [4896, 0], sizes = [96, 64], strides = [1, 1]} : vector<6144x64xbf16> to vector<96x64xbf16>
    %concatenate3A_1486 = tpu.concatenate %slice3A_1484, %slice3A_1485 in 1 : vector<96x64xbf16>, vector<96x64xbf16> -> vector<96x128xbf16>
    %dot_general3A_1487 = arith.constant dense<0.000000e+00> : vector<96x128xf32>
    %dot_general3A_1488 = tpu.matmul %get3A_4, %concatenate3A_1486, %dot_general3A_1487 {dimension_numbers = #tpu.dot_dimension_numbers<[1], [0], [0], [1], [0, 0, 1, 1], [], []>, transpose_lhs_hint = false} : vector<96x96xbf16>, vector<96x128xbf16>, vector<96x128xf32> -> vector<96x128xf32>
    %slice3A_1489 = vector.extract_strided_slice %dot_general3A_1488 {offsets = [0, 0], sizes = [48, 64], strides = [1, 1]} : vector<96x128xf32> to vector<48x64xf32>
    %slice3A_1490 = vector.extract_strided_slice %dot_general3A_1488 {offsets = [48, 0], sizes = [48, 64], strides = [1, 1]} : vector<96x128xf32> to vector<48x64xf32>
    %concatenate3A_1491 = tpu.concatenate %slice3A_1489, %slice3A_1490 in 1 : vector<48x64xf32>, vector<48x64xf32> -> vector<48x128xf32>
    %slice3A_1492 = vector.extract_strided_slice %dot_general3A_1488 {offsets = [0, 64], sizes = [48, 64], strides = [1, 1]} : vector<96x128xf32> to vector<48x64xf32>
    %slice3A_1493 = vector.extract_strided_slice %dot_general3A_1488 {offsets = [48, 64], sizes = [48, 64], strides = [1, 1]} : vector<96x128xf32> to vector<48x64xf32>
    %concatenate3A_1494 = tpu.concatenate %slice3A_1492, %slice3A_1493 in 1 : vector<48x64xf32>, vector<48x64xf32> -> vector<48x128xf32>
    %add3A_1495 = vector.broadcast %get3A_16 : vector<1x128xf32> to vector<48x128xf32>
    %add3A_1496 = arith.addf %concatenate3A_1491, %add3A_1495 : vector<48x128xf32>
    %add3A_1497 = vector.broadcast %get3A_16 : vector<1x128xf32> to vector<48x128xf32>
    %add3A_1498 = arith.addf %concatenate3A_1494, %add3A_1497 : vector<48x128xf32>
    %slice3A_1499 = vector.extract_strided_slice %convert_element_type3A_1108 {offsets = [4992, 0], sizes = [96, 64], strides = [1, 1]} : vector<6144x64xbf16> to vector<96x64xbf16>
    %slice3A_1500 = vector.extract_strided_slice %convert_element_type3A_1108 {offsets = [5088, 0], sizes = [96, 64], strides = [1, 1]} : vector<6144x64xbf16> to vector<96x64xbf16>
    %concatenate3A_1501 = tpu.concatenate %slice3A_1499, %slice3A_1500 in 1 : vector<96x64xbf16>, vector<96x64xbf16> -> vector<96x128xbf16>
    %dot_general3A_1502 = arith.constant dense<0.000000e+00> : vector<96x128xf32>
    %dot_general3A_1503 = tpu.matmul %get3A_4, %concatenate3A_1501, %dot_general3A_1502 {dimension_numbers = #tpu.dot_dimension_numbers<[1], [0], [0], [1], [0, 0, 1, 1], [], []>, transpose_lhs_hint = false} : vector<96x96xbf16>, vector<96x128xbf16>, vector<96x128xf32> -> vector<96x128xf32>
    %slice3A_1504 = vector.extract_strided_slice %dot_general3A_1503 {offsets = [0, 0], sizes = [48, 64], strides = [1, 1]} : vector<96x128xf32> to vector<48x64xf32>
    %slice3A_1505 = vector.extract_strided_slice %dot_general3A_1503 {offsets = [48, 0], sizes = [48, 64], strides = [1, 1]} : vector<96x128xf32> to vector<48x64xf32>
    %concatenate3A_1506 = tpu.concatenate %slice3A_1504, %slice3A_1505 in 1 : vector<48x64xf32>, vector<48x64xf32> -> vector<48x128xf32>
    %slice3A_1507 = vector.extract_strided_slice %dot_general3A_1503 {offsets = [0, 64], sizes = [48, 64], strides = [1, 1]} : vector<96x128xf32> to vector<48x64xf32>
    %slice3A_1508 = vector.extract_strided_slice %dot_general3A_1503 {offsets = [48, 64], sizes = [48, 64], strides = [1, 1]} : vector<96x128xf32> to vector<48x64xf32>
    %concatenate3A_1509 = tpu.concatenate %slice3A_1507, %slice3A_1508 in 1 : vector<48x64xf32>, vector<48x64xf32> -> vector<48x128xf32>
    %add3A_1510 = vector.broadcast %get3A_16 : vector<1x128xf32> to vector<48x128xf32>
    %add3A_1511 = arith.addf %concatenate3A_1506, %add3A_1510 : vector<48x128xf32>
    %add3A_1512 = vector.broadcast %get3A_16 : vector<1x128xf32> to vector<48x128xf32>
    %add3A_1513 = arith.addf %concatenate3A_1509, %add3A_1512 : vector<48x128xf32>
    %slice3A_1514 = vector.extract_strided_slice %convert_element_type3A_1108 {offsets = [5184, 0], sizes = [96, 64], strides = [1, 1]} : vector<6144x64xbf16> to vector<96x64xbf16>
    %slice3A_1515 = vector.extract_strided_slice %convert_element_type3A_1108 {offsets = [5280, 0], sizes = [96, 64], strides = [1, 1]} : vector<6144x64xbf16> to vector<96x64xbf16>
    %concatenate3A_1516 = tpu.concatenate %slice3A_1514, %slice3A_1515 in 1 : vector<96x64xbf16>, vector<96x64xbf16> -> vector<96x128xbf16>
    %dot_general3A_1517 = arith.constant dense<0.000000e+00> : vector<96x128xf32>
    %dot_general3A_1518 = tpu.matmul %get3A_4, %concatenate3A_1516, %dot_general3A_1517 {dimension_numbers = #tpu.dot_dimension_numbers<[1], [0], [0], [1], [0, 0, 1, 1], [], []>, transpose_lhs_hint = false} : vector<96x96xbf16>, vector<96x128xbf16>, vector<96x128xf32> -> vector<96x128xf32>
    %slice3A_1519 = vector.extract_strided_slice %dot_general3A_1518 {offsets = [0, 0], sizes = [48, 64], strides = [1, 1]} : vector<96x128xf32> to vector<48x64xf32>
    %slice3A_1520 = vector.extract_strided_slice %dot_general3A_1518 {offsets = [48, 0], sizes = [48, 64], strides = [1, 1]} : vector<96x128xf32> to vector<48x64xf32>
    %concatenate3A_1521 = tpu.concatenate %slice3A_1519, %slice3A_1520 in 1 : vector<48x64xf32>, vector<48x64xf32> -> vector<48x128xf32>
    %slice3A_1522 = vector.extract_strided_slice %dot_general3A_1518 {offsets = [0, 64], sizes = [48, 64], strides = [1, 1]} : vector<96x128xf32> to vector<48x64xf32>
    %slice3A_1523 = vector.extract_strided_slice %dot_general3A_1518 {offsets = [48, 64], sizes = [48, 64], strides = [1, 1]} : vector<96x128xf32> to vector<48x64xf32>
    %concatenate3A_1524 = tpu.concatenate %slice3A_1522, %slice3A_1523 in 1 : vector<48x64xf32>, vector<48x64xf32> -> vector<48x128xf32>
    %add3A_1525 = vector.broadcast %get3A_16 : vector<1x128xf32> to vector<48x128xf32>
    %add3A_1526 = arith.addf %concatenate3A_1521, %add3A_1525 : vector<48x128xf32>
    %add3A_1527 = vector.broadcast %get3A_16 : vector<1x128xf32> to vector<48x128xf32>
    %add3A_1528 = arith.addf %concatenate3A_1524, %add3A_1527 : vector<48x128xf32>
    %slice3A_1529 = vector.extract_strided_slice %convert_element_type3A_1108 {offsets = [5376, 0], sizes = [96, 64], strides = [1, 1]} : vector<6144x64xbf16> to vector<96x64xbf16>
    %slice3A_1530 = vector.extract_strided_slice %convert_element_type3A_1108 {offsets = [5472, 0], sizes = [96, 64], strides = [1, 1]} : vector<6144x64xbf16> to vector<96x64xbf16>
    %concatenate3A_1531 = tpu.concatenate %slice3A_1529, %slice3A_1530 in 1 : vector<96x64xbf16>, vector<96x64xbf16> -> vector<96x128xbf16>
    %dot_general3A_1532 = arith.constant dense<0.000000e+00> : vector<96x128xf32>
    %dot_general3A_1533 = tpu.matmul %get3A_4, %concatenate3A_1531, %dot_general3A_1532 {dimension_numbers = #tpu.dot_dimension_numbers<[1], [0], [0], [1], [0, 0, 1, 1], [], []>, transpose_lhs_hint = false} : vector<96x96xbf16>, vector<96x128xbf16>, vector<96x128xf32> -> vector<96x128xf32>
    %slice3A_1534 = vector.extract_strided_slice %dot_general3A_1533 {offsets = [0, 0], sizes = [48, 64], strides = [1, 1]} : vector<96x128xf32> to vector<48x64xf32>
    %slice3A_1535 = vector.extract_strided_slice %dot_general3A_1533 {offsets = [48, 0], sizes = [48, 64], strides = [1, 1]} : vector<96x128xf32> to vector<48x64xf32>
    %concatenate3A_1536 = tpu.concatenate %slice3A_1534, %slice3A_1535 in 1 : vector<48x64xf32>, vector<48x64xf32> -> vector<48x128xf32>
    %slice3A_1537 = vector.extract_strided_slice %dot_general3A_1533 {offsets = [0, 64], sizes = [48, 64], strides = [1, 1]} : vector<96x128xf32> to vector<48x64xf32>
    %slice3A_1538 = vector.extract_strided_slice %dot_general3A_1533 {offsets = [48, 64], sizes = [48, 64], strides = [1, 1]} : vector<96x128xf32> to vector<48x64xf32>
    %concatenate3A_1539 = tpu.concatenate %slice3A_1537, %slice3A_1538 in 1 : vector<48x64xf32>, vector<48x64xf32> -> vector<48x128xf32>
    %add3A_1540 = vector.broadcast %get3A_16 : vector<1x128xf32> to vector<48x128xf32>
    %add3A_1541 = arith.addf %concatenate3A_1536, %add3A_1540 : vector<48x128xf32>
    %add3A_1542 = vector.broadcast %get3A_16 : vector<1x128xf32> to vector<48x128xf32>
    %add3A_1543 = arith.addf %concatenate3A_1539, %add3A_1542 : vector<48x128xf32>
    %slice3A_1544 = vector.extract_strided_slice %convert_element_type3A_1108 {offsets = [5568, 0], sizes = [96, 64], strides = [1, 1]} : vector<6144x64xbf16> to vector<96x64xbf16>
    %slice3A_1545 = vector.extract_strided_slice %convert_element_type3A_1108 {offsets = [5664, 0], sizes = [96, 64], strides = [1, 1]} : vector<6144x64xbf16> to vector<96x64xbf16>
    %concatenate3A_1546 = tpu.concatenate %slice3A_1544, %slice3A_1545 in 1 : vector<96x64xbf16>, vector<96x64xbf16> -> vector<96x128xbf16>
    %dot_general3A_1547 = arith.constant dense<0.000000e+00> : vector<96x128xf32>
    %dot_general3A_1548 = tpu.matmul %get3A_4, %concatenate3A_1546, %dot_general3A_1547 {dimension_numbers = #tpu.dot_dimension_numbers<[1], [0], [0], [1], [0, 0, 1, 1], [], []>, transpose_lhs_hint = false} : vector<96x96xbf16>, vector<96x128xbf16>, vector<96x128xf32> -> vector<96x128xf32>
    %slice3A_1549 = vector.extract_strided_slice %dot_general3A_1548 {offsets = [0, 0], sizes = [48, 64], strides = [1, 1]} : vector<96x128xf32> to vector<48x64xf32>
    %slice3A_1550 = vector.extract_strided_slice %dot_general3A_1548 {offsets = [48, 0], sizes = [48, 64], strides = [1, 1]} : vector<96x128xf32> to vector<48x64xf32>
    %concatenate3A_1551 = tpu.concatenate %slice3A_1549, %slice3A_1550 in 1 : vector<48x64xf32>, vector<48x64xf32> -> vector<48x128xf32>
    %slice3A_1552 = vector.extract_strided_slice %dot_general3A_1548 {offsets = [0, 64], sizes = [48, 64], strides = [1, 1]} : vector<96x128xf32> to vector<48x64xf32>
    %slice3A_1553 = vector.extract_strided_slice %dot_general3A_1548 {offsets = [48, 64], sizes = [48, 64], strides = [1, 1]} : vector<96x128xf32> to vector<48x64xf32>
    %concatenate3A_1554 = tpu.concatenate %slice3A_1552, %slice3A_1553 in 1 : vector<48x64xf32>, vector<48x64xf32> -> vector<48x128xf32>
    %add3A_1555 = vector.broadcast %get3A_16 : vector<1x128xf32> to vector<48x128xf32>
    %add3A_1556 = arith.addf %concatenate3A_1551, %add3A_1555 : vector<48x128xf32>
    %add3A_1557 = vector.broadcast %get3A_16 : vector<1x128xf32> to vector<48x128xf32>
    %add3A_1558 = arith.addf %concatenate3A_1554, %add3A_1557 : vector<48x128xf32>
    %slice3A_1559 = vector.extract_strided_slice %convert_element_type3A_1108 {offsets = [5760, 0], sizes = [96, 64], strides = [1, 1]} : vector<6144x64xbf16> to vector<96x64xbf16>
    %slice3A_1560 = vector.extract_strided_slice %convert_element_type3A_1108 {offsets = [5856, 0], sizes = [96, 64], strides = [1, 1]} : vector<6144x64xbf16> to vector<96x64xbf16>
    %concatenate3A_1561 = tpu.concatenate %slice3A_1559, %slice3A_1560 in 1 : vector<96x64xbf16>, vector<96x64xbf16> -> vector<96x128xbf16>
    %dot_general3A_1562 = arith.constant dense<0.000000e+00> : vector<96x128xf32>
    %dot_general3A_1563 = tpu.matmul %get3A_4, %concatenate3A_1561, %dot_general3A_1562 {dimension_numbers = #tpu.dot_dimension_numbers<[1], [0], [0], [1], [0, 0, 1, 1], [], []>, transpose_lhs_hint = false} : vector<96x96xbf16>, vector<96x128xbf16>, vector<96x128xf32> -> vector<96x128xf32>
    %slice3A_1564 = vector.extract_strided_slice %dot_general3A_1563 {offsets = [0, 0], sizes = [48, 64], strides = [1, 1]} : vector<96x128xf32> to vector<48x64xf32>
    %slice3A_1565 = vector.extract_strided_slice %dot_general3A_1563 {offsets = [48, 0], sizes = [48, 64], strides = [1, 1]} : vector<96x128xf32> to vector<48x64xf32>
    %concatenate3A_1566 = tpu.concatenate %slice3A_1564, %slice3A_1565 in 1 : vector<48x64xf32>, vector<48x64xf32> -> vector<48x128xf32>
    %slice3A_1567 = vector.extract_strided_slice %dot_general3A_1563 {offsets = [0, 64], sizes = [48, 64], strides = [1, 1]} : vector<96x128xf32> to vector<48x64xf32>
    %slice3A_1568 = vector.extract_strided_slice %dot_general3A_1563 {offsets = [48, 64], sizes = [48, 64], strides = [1, 1]} : vector<96x128xf32> to vector<48x64xf32>
    %concatenate3A_1569 = tpu.concatenate %slice3A_1567, %slice3A_1568 in 1 : vector<48x64xf32>, vector<48x64xf32> -> vector<48x128xf32>
    %add3A_1570 = vector.broadcast %get3A_16 : vector<1x128xf32> to vector<48x128xf32>
    %add3A_1571 = arith.addf %concatenate3A_1566, %add3A_1570 : vector<48x128xf32>
    %add3A_1572 = vector.broadcast %get3A_16 : vector<1x128xf32> to vector<48x128xf32>
    %add3A_1573 = arith.addf %concatenate3A_1569, %add3A_1572 : vector<48x128xf32>
    %slice3A_1574 = vector.extract_strided_slice %convert_element_type3A_1108 {offsets = [5952, 0], sizes = [96, 64], strides = [1, 1]} : vector<6144x64xbf16> to vector<96x64xbf16>
    %slice3A_1575 = vector.extract_strided_slice %convert_element_type3A_1108 {offsets = [6048, 0], sizes = [96, 64], strides = [1, 1]} : vector<6144x64xbf16> to vector<96x64xbf16>
    %concatenate3A_1576 = tpu.concatenate %slice3A_1574, %slice3A_1575 in 1 : vector<96x64xbf16>, vector<96x64xbf16> -> vector<96x128xbf16>
    %dot_general3A_1577 = arith.constant dense<0.000000e+00> : vector<96x128xf32>
    %dot_general3A_1578 = tpu.matmul %get3A_4, %concatenate3A_1576, %dot_general3A_1577 {dimension_numbers = #tpu.dot_dimension_numbers<[1], [0], [0], [1], [0, 0, 1, 1], [], []>, transpose_lhs_hint = false} : vector<96x96xbf16>, vector<96x128xbf16>, vector<96x128xf32> -> vector<96x128xf32>
    %slice3A_1579 = vector.extract_strided_slice %dot_general3A_1578 {offsets = [0, 0], sizes = [48, 64], strides = [1, 1]} : vector<96x128xf32> to vector<48x64xf32>
    %slice3A_1580 = vector.extract_strided_slice %dot_general3A_1578 {offsets = [48, 0], sizes = [48, 64], strides = [1, 1]} : vector<96x128xf32> to vector<48x64xf32>
    %concatenate3A_1581 = tpu.concatenate %slice3A_1579, %slice3A_1580 in 1 : vector<48x64xf32>, vector<48x64xf32> -> vector<48x128xf32>
    %slice3A_1582 = vector.extract_strided_slice %dot_general3A_1578 {offsets = [0, 64], sizes = [48, 64], strides = [1, 1]} : vector<96x128xf32> to vector<48x64xf32>
    %slice3A_1583 = vector.extract_strided_slice %dot_general3A_1578 {offsets = [48, 64], sizes = [48, 64], strides = [1, 1]} : vector<96x128xf32> to vector<48x64xf32>
    %concatenate3A_1584 = tpu.concatenate %slice3A_1582, %slice3A_1583 in 1 : vector<48x64xf32>, vector<48x64xf32> -> vector<48x128xf32>
    %add3A_1585 = vector.broadcast %get3A_16 : vector<1x128xf32> to vector<48x128xf32>
    %add3A_1586 = arith.addf %concatenate3A_1581, %add3A_1585 : vector<48x128xf32>
    %add3A_1587 = vector.broadcast %get3A_16 : vector<1x128xf32> to vector<48x128xf32>
    %add3A_1588 = arith.addf %concatenate3A_1584, %add3A_1587 : vector<48x128xf32>
    %concatenate3A_1589 = tpu.concatenate %add3A_1121, %add3A_1123, %add3A_1136, %add3A_1138, %add3A_1151, %add3A_1153, %add3A_1166, %add3A_1168, %add3A_1181, %add3A_1183, %add3A_1196, %add3A_1198, %add3A_1211, %add3A_1213, %add3A_1226, %add3A_1228, %add3A_1241, %add3A_1243, %add3A_1256, %add3A_1258, %add3A_1271, %add3A_1273, %add3A_1286, %add3A_1288, %add3A_1301, %add3A_1303, %add3A_1316, %add3A_1318, %add3A_1331, %add3A_1333, %add3A_1346, %add3A_1348, %add3A_1361, %add3A_1363, %add3A_1376, %add3A_1378, %add3A_1391, %add3A_1393, %add3A_1406, %add3A_1408, %add3A_1421, %add3A_1423, %add3A_1436, %add3A_1438, %add3A_1451, %add3A_1453, %add3A_1466, %add3A_1468, %add3A_1481, %add3A_1483, %add3A_1496, %add3A_1498, %add3A_1511, %add3A_1513, %add3A_1526, %add3A_1528, %add3A_1541, %add3A_1543, %add3A_1556, %add3A_1558, %add3A_1571, %add3A_1573, %add3A_1586, %add3A_1588 in 0 : vector<48x128xf32>, vector<48x128xf32>, vector<48x128xf32>, vector<48x128xf32>, vector<48x128xf32>, vector<48x128xf32>, vector<48x128xf32>, vector<48x128xf32>, vector<48x128xf32>, vector<48x128xf32>, vector<48x128xf32>, vector<48x128xf32>, vector<48x128xf32>, vector<48x128xf32>, vector<48x128xf32>, vector<48x128xf32>, vector<48x128xf32>, vector<48x128xf32>, vector<48x128xf32>, vector<48x128xf32>, vector<48x128xf32>, vector<48x128xf32>, vector<48x128xf32>, vector<48x128xf32>, vector<48x128xf32>, vector<48x128xf32>, vector<48x128xf32>, vector<48x128xf32>, vector<48x128xf32>, vector<48x128xf32>, vector<48x128xf32>, vector<48x128xf32>, vector<48x128xf32>, vector<48x128xf32>, vector<48x128xf32>, vector<48x128xf32>, vector<48x128xf32>, vector<48x128xf32>, vector<48x128xf32>, vector<48x128xf32>, vector<48x128xf32>, vector<48x128xf32>, vector<48x128xf32>, vector<48x128xf32>, vector<48x128xf32>, vector<48x128xf32>, vector<48x128xf32>, vector<48x128xf32>, vector<48x128xf32>, vector<48x128xf32>, vector<48x128xf32>, vector<48x128xf32>, vector<48x128xf32>, vector<48x128xf32>, vector<48x128xf32>, vector<48x128xf32>, vector<48x128xf32>, vector<48x128xf32>, vector<48x128xf32>, vector<48x128xf32>, vector<48x128xf32>, vector<48x128xf32>, vector<48x128xf32>, vector<48x128xf32> -> vector<3072x128xf32>
    %swap3A = arith.constant 0 : index
    %swap3A_1590 = arith.constant 0 : index
    %swap3A_1591 = vector.load %arg8[%swap3A, %swap3A_1590] : memref<3072x128xf32, #tpu.memory_space<vmem>>, vector<3072x128xf32>
    tpu.vector_store %arg8[%swap3A, %swap3A_1590], %concatenate3A_1589 {strides = array<i32>} : memref<3072x128xf32, #tpu.memory_space<vmem>>, vector<3072x128xf32>,
    return
  }
  func.func @transform_0(%arg0: i32) -> (i32, i32) {
    %c0_i32 = arith.constant 0 : i32
    %c0_i32_0 = arith.constant 0 : i32
    return %arg0, %c0_i32 : i32, i32
  }
  func.func @transform_1(%arg0: i32) -> (i32, i32) {
    %c0_i32 = arith.constant 0 : i32
    %c0_i32_0 = arith.constant 0 : i32
    %c0_i32_1 = arith.constant 0 : i32
    return %c0_i32, %c0_i32_0 : i32, i32
  }
  func.func @transform_2(%arg0: i32) -> (i32, i32) {
    %c0_i32 = arith.constant 0 : i32
    %c0_i32_0 = arith.constant 0 : i32
    %c0_i32_1 = arith.constant 0 : i32
    return %c0_i32, %c0_i32_0 : i32, i32
  }
  func.func @transform_3(%arg0: i32) -> (i32, i32) {
    %c0_i32 = arith.constant 0 : i32
    %c0_i32_0 = arith.constant 0 : i32
    %c0_i32_1 = arith.constant 0 : i32
    return %c0_i32, %c0_i32_0 : i32, i32
  }
  func.func @transform_4(%arg0: i32) -> (i32, i32) {
    %c0_i32 = arith.constant 0 : i32
    %c0_i32_0 = arith.constant 0 : i32
    %c0_i32_1 = arith.constant 0 : i32
    return %c0_i32, %c0_i32_0 : i32, i32
  }
  func.func @transform_5(%arg0: i32) -> (i32, i32) {
    %c0_i32 = arith.constant 0 : i32
    %c0_i32_0 = arith.constant 0 : i32
    %c0_i32_1 = arith.constant 0 : i32
    return %c0_i32, %c0_i32_0 : i32, i32
  }
  func.func @transform_6(%arg0: i32) -> (i32, i32) {
    %c0_i32 = arith.constant 0 : i32
    %c0_i32_0 = arith.constant 0 : i32
    %c0_i32_1 = arith.constant 0 : i32
    return %c0_i32, %c0_i32_0 : i32, i32
  }
  func.func @transform_7(%arg0: i32) -> (i32, i32) {
    %c0_i32 = arith.constant 0 : i32
    %c0_i32_0 = arith.constant 0 : i32
    return %arg0, %c0_i32 : i32, i32
  }
}

</mosaic_0001>

<sc_bundles>
// kernel: sparse-core-data-format-call.cloned.1.call-start
scs
called_computation_lowered:
.L_overlay_start_0:
0x0: {  	s2 =	sld [smem:$0x3FD9]  }
0x1: {  	s3 =	sld [smem:$0x3FFE];
	_ =	sdelay $0x1  }
0x2: {  	s1 =	srdreg.scid  }
0x3: {  	s0 =	sand.u32 $0x1, s1  }
0x4: {  	s18 =	sshll.u32 s0, $0xA;
	s2 =	sadd.s32 s3, s2  }
0x5: {  	s2 =	sadd.s32 s2, s18  }
0x6: {  	[smem:$0x3FC3] =	sst s2  }
0x7: {  	_ = 	snop  }
0x8: {  	s2 =	sld [smem:$0x3FD0];
	(tm) =	ssettm $0x1  }
0x9: {  	s19 =	sld [smem:$0x3FFB];
	_ =	sdelay $0x3  }
0xa: {  	_ =	strace s19  }
0xb: {  	s3 =	sld [smem:$0x3FFC];
	_ =	sdelay $0x3  }
0xc: {  	_ =	strace s3  }
0xd: {  	s3 =	sld [smem:$0x3FFD];
	_ =	sdelay $0x3  }
0xe: {  	_ =	strace s3  }
0xf: {  	_ =	strace $0x8FFFFFFF  }
0x10: {  	s20 =	sld [smem:$0x3FDB];
	_ =	sdelay $0x1  }
0x11: {  	s4 =	simm.s32 $_scs_section_size  }
0x12: {  	s5 =	simm.s32 $_size__tile_overlayer_lowered;
	s6 =	simm.s32 $_tile_overlayer_lowered  }
0x13: {  	s23 =	simm.s32 $0x1BFF;
	s22 =	sshll.u32 s6, $0x1;
	s3 =	sadd.s32 s4, s20  }
0x14: {  	s7 =	simm.s32 $0x0;
	s21 =	sshll.u32 s5, $0x1;
	s5 =	sadd.s32 s22, s3  }
0x15: {  	[timem:s7], [sflag:s23] =	dma.local [hbm:s5], s21  }
0x16: {  	_ =	swait.ge [sflag:s23], s21  }
0x17: {  	s4 =	ssub.s32 $0x0, s21;
	[sflag:s23] =	ssyncset.done $0x0  }
0x18: {  	[sflag:s23] =	ssyncadd.s32 s4;
	_ =	sdelay $0x1  }
0x19: {  	s24 =	simm.s32 $0x1B8B  }
0x1a: {  	_ =	swait.ge [sflag:s24], $0x1  }
0x1b: {  	[sflag:s24] =	ssyncset.done $0x0  }
0x1c: {  	s26 =	simm.s32 $0x1B8E;
	s25 =	sld [smem:$0x3FFE];
	[sflag:s24] =	ssyncadd.s32 $0xFFFFFFFF  }
0x1d: {  	s27 =	simm.s32 $execute0_lowered;
	[smem:$0x3FD2] =	sst s26  }
0x1e: {  	s5 =	sshll.u32 s27, $0x1;
	_ =	strace $0x80000046;
	[dreg:$0x1] =	wrdreg $0xFFFFFFFF  }
0x1f: {  	s28 =	simm.s32 $_size_execute0_lowered;
	s3 =	sadd.s32 s3, s5;
	[dreg:$0x0] =	wrdreg $0x0  }
0x20: {  	s5 =	sshll.u32 s28, $0x1;
	[dreg:$0x2] =	wrdreg s3  }
0x21: {  	[dreg:$0x3] =	wrdreg s5  }
0x22: {  	[dreg:$0x4] =	wrdreg $0xC0  }
0x23: {  	_ =	task [dreg:s7], $0x5FFFF  }
0x24: {  	[dreg:$0x1] =	wrdreg $0xFFFFFFFF  }
0x25: {  	[dreg:$0x0] =	wrdreg $0x60  }
0x26: {  	[dreg:$0x2] =	wrdreg s25  }
0x27: {  	[dreg:$0x3] =	wrdreg s2  }
0x28: {  	[dreg:$0x4] =	wrdreg $0x9  }
0x29: {  	_ =	task.clear_ibuf [dreg:s7], $0x5FFFF;
	_ =	strace $0x90000046  }
0x2a: {  	s29 =	simm.s32 $0x9;
	_ =	strace $0x80000048  }
0x2b: {  	_ =	swait.ge [sflag:s29], $0x1  }
0x2c: {  	[sflag:s29] =	ssyncadd.s32 $0xFFFFFFFF  }
0x2d: {  	_ =	strace $0x90000048  }
0x2e: {  	_ =	sfence  }
0x2f: {  	s30 =	sld [smem:$0x0];
	_ =	sdelay $0x2  }
0x30: {  	s31 =	sshll.u32 s1, $0xD;
	s1 =	sshrl.u32 s1, $0x2  }
0x31: {  	s3 =	sand.u32 $0x4000, s31;
	s1 =	sadd.s32 s1, s30  }
0x32: {  	s0 =	sor.u32 s3, s0;
	s1 =	sshll.u32 s1, $0x11  }
0x33: {  	s0 =	sor.u32 s1, s0  }
0x34: {  	s0 =	sadd.s32 $0x8F2B, s0  }
0x35: {  	[sflag:s0] =	ssyncadd.remote.s32 $0x1  }
0x36: {  	_ =	sfence.sel $0xFFFF  }
0x37: {  	[dreg:$0x0] =	wrdreg $0xFFFFFFFF;
	(pc) =	sbr.abs _section_cstart, $3  }
0x38: {  	[dreg:$0x1] =	wrdreg $0xFFFFFFFF  }
0x39: {  	_ =	task.clear_ibuf [dreg:s7], $0x2FFFF;
	_ =	strace $0x9FFFFFFF  }
0x3a: {  	(tm) =	ssettm $0x7FFFFFFF  }
0x3b: {  	_ =	shalt  }
tec
execute0_lowered:
.L_overlay_start_1:
0x0: {  	(tag) =	ssettag $0x1  }
0x1: {  	s0 =	srdreg.scid  }
0x2: {  	s1 =	sshll.u32 s0, $0x4  }
0x3: {  	s6 =	rddreg [dreg:$0x0];
	s0 =	stileid.u32;
	s1 =	sand.u32 $0x10, s1  }
0x4: {  	s3 =	rddreg [dreg:$0x1];
	s1 =	sor.u32 s0, s1  }
0x5: {  	s5 =	simm.s32 $0x1;
	s31 =	simm.s32 $0x2;
	s2 =	sshll.u32 s1, $0x1  }
0x6: {  	s13 =	simm.s32 $0x0;
	s8 =	simm.s32 $0x30000;
	s4 =	ssub.s32 $0x40, s2  }
0x7: {  	s14 =	simm.s32 $0x0;
	s15 =	simm.s32 $0x0;
	s30 =	sand.u32 $0x3E, s4  }
0x8: {  	s9 =	simm.s32 $0x0;
	s10 =	simm.s32 $0x0;
	p0 =	sne.s32 s30, $0x0  }
.Ltmp0:
0x9: {  	s7 =	sshrl.u32 s4, $0x6;
	s5 =	simm.s32 @!p0 $0x0;
	(pc) =	sbr.rel .LBB1_1-.Ltmp0, $4  }
0xa: {  	s12 =	simm.s32 $0x0;
	s1 =	rddreg [dreg:$0x2];
	s5 =	sadd.s32 s5, s7  }
0xb: {  	_ =	strace $0x80000047;
	s4 =	simm.s32 $0x1;
	s5 =	smul.u32 $0x18, s5  }
0xc: {  	s6 =	sadd.s32 $0xA00, s6;
	s11 =	smov.u32 s2;
	[sflag:s4] =	ssyncpa.u1 $0x0  }
0xd: {  	[sflag:s31] =	ssyncpa.u1 $0x0;
	p0 =	por $0x0, $0x0;
	s7 =	sor.u32 $0x1, s5  }
.LBB1_7:
0xe: {  	s16 =	sadd.s32 $0x1, s9  }
0xf: {  	s13 =	sadd.s32 $0x80, s10;
	s17 =	smov.u32 s10;
	p2 =	sgt.s32 s16, $0x17  }
0x10: {  	s17 =	smov.u32 @p2 s13  }
0x11: {  	s19 =	smov.u32 s11;
	s13 =	sadd.s32 $0x40, s11;
	p3 =	sgt.s32 s17, $0x7F  }
0x12: {  	s19 =	smov.u32 @p3 s13  }
0x13: {  	s16 =	simm.s32 @p2 $0x0;
	p2 =	sgt.s32 s19, $0x3F  }
0x14: {  	p1 =	slt.u32 s12, $0x2;
	s19 =	smov.u32 @p2 s2;
	p2 =	sne.s32 s12, s7  }
.Ltmp1:
0x15: {  	s18 =	simm.s32 @!p1 $0x2;
	(pc) =	sbr.rel @!p2 .LBB1_8-.Ltmp1, $4  }
0x16: {  	s14 =	smov.u32 s10;
	s15 =	smov.u32 s11;
	_ =	swait.ge @!p1 [sflag:s18], $0x4000  }
0x17: {  	p0 =	por !p0, !p0;
	[sflag:s18] =	ssyncset.done @!p1 $0x0;
	s17 =	simm.s32 @p3 $0x0  }
0x18: {  	s13 =	smov.u32 s9;
	[sflag:s18] =	ssyncadd.s32 @!p1 $0xFFFFC000;
	s9 =	smov.u32 s16  }
0x19: {  	s10 =	smov.u32 s17;
	s12 =	sadd.s32 $0x1, s12;
	s11 =	smov.u32 s19  }
.LBB1_1:
0x1a: {  	p1 =	sge.u32 s12, s5  }
0x1b: {  	s16 =	sand.u32 @!p1 $0x1FFFFFF, s9;
	s18 =	smul.u32 @!p1 $0xC000, s11  }
0x1c: {  	s17 =	smulhi.u32 @!p1 $0xAAAAAAB, s16  }
0x1d: {  	s20 =	smul.u32 @!p1 $0x180, s10  }
0x1e: {  	s17 =	smul.u32 @!p1 $0x18, s17  }
0x1f: {  	s31 =	sadd.s32 $0xFFFFFFFF, s12;
	s18 =	sadd.s32 @!p1 s6, s18  }
0x20: {  	s19 =	sxor.u32 @!p1 $0xFFFFFFFF, s12;
	s18 =	sadd.s32 @!p1 s20, s18;
	s16 =	ssub.s32 @!p1 s16, s17  }
0x21: {  	s17 =	sshll.u32 @!p1 s19, $0xE;
	s19 =	simm.s32 @!p1 $0xC00;
	s16 =	sshll.u32 @!p1 s16, $0x4  }
0x22: {  	s17 =	sand.u32 @!p1 $0x4000, s17;
	s16 =	sadd.s32 @!p1 s16, s18;
	s18 =	simm.s32 @!p1 $0x40  }
0x23: {  	[tilespmem:s17], [sflag:$0x1] =	stream.strided.gather @!p1 [hbm4b:s16+s18], $0x4000, s19, s18, $0x38;
	[tilespmem:$0x10100] =	vst v63  }
0x24: {  	p1 =	sge.u32 s31, s5  }
.Ltmp2:
0x25: {  	_ = 	snop;
	(pc) =	sbr.rel @p1 .LBB1_7-.Ltmp2, $1  }
0x26: {  	_ =	sdelay $0x3  }
0x27: {  	s16 =	simm.s32 $0x1;
	s18 =	sand.u32 $0x1, s12  }
0x28: {  	_ =	swait.ge [sflag:s4], $0x4000;
	s16 =	simm.s32 @!p0 $0x0;
	s18 =	smul.u32 $0x10200, s18  }
0x29: {  	p2 =	por $0x1, $0x1;
	[sflag:s4] =	ssyncset.done $0x0;
	s17 =	smul.u32 $0x10200, s16  }
0x2a: {  	s19 =	sshll.u32 s16, $0x10;
	[sflag:s4] =	ssyncadd.s32 $0xFFFFC000;
	s30 =	sshrl.u32 s18, $0x2  }
0x2b: {  	s31 =	sshrl.u32 s19, $0x2;
	s19 =	simm.s32 $0x0;
	s17 =	sshrl.u32 s17, $0x2  }
0x2c: {  	s16 =	sor.u32 $0x8000, s30;
	s18 =	sadd.s32 $0x20, s31;
	s17 =	sor.u32 $0x8000, s17  }
.LBB1_3:
0x2d: {  	s20 =	sshll.u32 s19, $0xD  }
0x2e: {  	s20 =	sand.u32 $0x3FFFE000, s20  }
0x2f: {  	s22 =	sadd.s32 s20, s18  }
0x30: {  	s31 =	smul.u32 $0x8100, s19;
	v3 =	vld [tilespmem:s22+$0x10]  }
0x31: {  	v1 =	vld [tilespmem:s22+$0xFFFFFFF0]  }
0x32: {  	s19 =	sshra.s32 s31, $0x2;
	v0 =	vld [tilespmem:s22+$0x0]  }
0x33: {  	s19 =	sadd.s32 s19, s17;
	v2 =	vld [tilespmem:s22+$0xFFFFFFE0]  }
0x34: {  	s20 =	sadd.s32 $0x0, s19  }
0x35: {  	p1 =	por p2, p2;
	s21 =	simm.s32 $0x4;
	s22 =	sadd.s32 $0x40, s22;
	[tilespmem:s20+$0x1830 ss:$0x81] =	vst.msk $0xffff, v3  }
.LBB1_4:
0x36: {  	v3 =	vld [tilespmem:s22+$0x10];
	p2 =	sne.s32 s21, $0x1FC;
	[tilespmem:s20+$0x810 ss:$0x81] =	vst.msk $0xffff, v1;
	s23 =	smov.u32 s21;
	s21 =	sadd.s32 $0x4, s21  }
.Ltmp3:
0x37: {  	v1 =	vld [tilespmem:s22+$0xFFFFFFF0];
	[tilespmem:s20+$0x1020 ss:$0x81] =	vst.msk $0xffff, v0;
	(pc) =	sbr.rel @p2 .LBB1_4-.Ltmp3, $4  }
0x38: {  	v0 =	vld [tilespmem:s22+$0x0];
	[tilespmem:s20+$0x0 ss:$0x81] =	vst.msk $0xffff, v2  }
0x39: {  	s20 =	sshra.s32 s23, $0x2;
	v2 =	vld [tilespmem:s22+$0xFFFFFFE0]  }
0x3a: {  	s20 =	sadd.s32 s20, s19  }
0x3b: {  	s22 =	sadd.s32 $0x40, s22;
	[tilespmem:s20+$0x1830 ss:$0x81] =	vst.msk $0xffff, v3  }
.Ltmp4:
0x3c: {  	(pc) =	sbr.rel @p1 .LBB1_3-.Ltmp4, $4  }
0x3d: {  	_ = 	snop  }
0x3e: {  	[tilespmem:s20+$0x810 ss:$0x81] =	vst.msk $0xffff, v1  }
0x3f: {  	[tilespmem:s20+$0x1020 ss:$0x81] =	vst.msk $0xffff, v0  }
0x40: {  	s19 =	simm.s32 $0x1;
	p2 =	por $0x0, $0x0;
	[tilespmem:s20+$0x0 ss:$0x81] =	vst.msk $0xffff, v2  }
0x41: {  	s15 =	smul.u32 $0x6000, s15  }
0x42: {  	s17 =	sand.u32 $0x380, s14  }
.Ltmp5:
0x43: {  	s13 =	sshll.u32 s13, $0xA;
	s15 =	sadd.s32 s3, s15;
	(pc) =	sbr.rel .LBB1_7-.Ltmp5, $4  }
0x44: {  	s18 =	sshrl.u32 s14, $0x3;
	s30 =	sand.u32 $0x7, s14;
	s15 =	sadd.s32 s17, s15  }
0x45: {  	s31 =	sand.u32 $0xF, s18;
	s14 =	sshll.u32 s30, $0x12;
	s13 =	sadd.s32 s13, s15  }
0x46: {  	s14 =	sor.u32 $0x2000, s14;
	s13 =	sadd.s32 s31, s13  }
0x47: {  	[hbm4b:s13+s14] =	stream.strided.scatter [tilespmem:s16], [sflag:$0x2], $0x4000, s8, s14, $0x20;
	[tilespmem:$0x10100] =	vst v63  }
.LBB1_8:
0x48: {  	_ =	sfence.sel $0x180000  }
0x49: {  	s2 =	simm.s32 $0x1;
	[bflag:$0x0] =	sbarrier.arrive $0xFFFF  }
0x4a: {  	s31 =	simm.s32 $0x2;
	[sflag:s2] =	ssyncpa.u1 $0x1  }
0x4b: {  	[sflag:s31] =	ssyncpa.u1 $0x1  }
0x4c: {  	p0 =	sne.s32 s0, $0x0;
	_ =	strace $0x90000047  }
0x4d: {  	s0 =	sadd.s32 @!p0 $0x100000, s1;
	[bflag:$0x2] =	sbarrier.arrive $0xFFFF  }
0x4e: {  	[sflag:s0] =	ssyncadd.tile.s32 @!p0 $0x1;
	_ =	shalt  }
.Lfunc_end1:
_tile_overlayer_lowered:
.L_overlay_start_2:
0x4f: {  	(tag) =	ssettag $0x2  }
0x50: {  	s0 =	rddreg [dreg:$0x0];
	s2 =	stileid.u32  }
0x51: {  	s1 =	rddreg [dreg:$0x1];
	p0 =	sne.s32 s2, $0x0  }
0x52: {  	s3 =	rddreg [dreg:$0x2];
	[bflag:$0x3] =	sbarrier.arrive $0xFFFF;
	s2 =	simm.s32 @!p0 $0x1C01  }
0x53: {  	[timem:s3], [sflag:s2] =	dma.local @!p0 [hbm:s0], s1  }
0x54: {  	s0 =	simm.s32 @!p0 $0x1  }
0x55: {  	_ =	swait.ge @!p0 [sflag:s0], s1  }
0x56: {  	s1 =	ssub.s32 @!p0 $0x0, s1;
	[sflag:s0] =	ssyncset.done @!p0 $0x0  }
0x57: {  	[sflag:s0] =	ssyncadd.s32 @!p0 s1  }
0x58: {  	[bflag:$0x3] =	sbarrier.arrive $0xFFFF  }
0x59: {  	_ =	shalt  }

</sc_bundles>
